<compile_context>
chip_gen: v7x
topology: tpu7x:2x2x1
jax: 0.10.2.dev20260603
libtpu: 0.0.44.dev20260713+nightly
codegen_flags: <defaults>
</compile_context>

<pallas_src>
import functools

import jax
import jax.numpy as jnp
from jax import lax
from jax.experimental import pallas as pl
from jax.experimental.pallas import tpu as pltpu
from jax.experimental.pallas import tpu_sc as plsc

PAD_ID = 0
EOS_ID = 1

NUM_CORES = 2
NUM_SUBCORES = 16
NW = NUM_CORES * NUM_SUBCORES

CHUNK = 128
RING = 5
LEAD = 4


def _make_sc_gather(total_rows: int, dim: int):
    assert total_rows % (NW * CHUNK) == 0
    rows_per_w = total_rows // NW
    n_chunks = rows_per_w // CHUNK
    assert n_chunks % RING == 0 and n_chunks >= 2 * RING
    max_off = max((w * n_chunks) % 8 for w in range(NW))
    idx_window = n_chunks + max_off
    assert all(
        (w * n_chunks // 8) * 8 + idx_window <= NW * n_chunks
        for w in range(NW))

    mesh = plsc.VectorSubcoreMesh(core_axis_name="c", subcore_axis_name="s")

    @functools.partial(
        pl.kernel,
        mesh=mesh,
        out_type=jax.ShapeDtypeStruct((total_rows, dim), jnp.float32),
        compiler_params=pltpu.CompilerParams(use_tc_tiling_on_sc=True),
        scratch_types=(
            [pltpu.VMEM((idx_window, CHUNK), jnp.int32)]
            + [pltpu.VMEM((CHUNK, dim), jnp.float32)] * RING
            + [pltpu.SemaphoreType.DMA] * (2 * RING)
        ),
    )
    def sc_gather(table_hbm, idx_hbm, out_hbm, idx_v, *rest):
        bufs = rest[:RING]
        gsems = rest[RING:2 * RING]
        osems = rest[2 * RING:]

        wid = lax.axis_index("s") * NUM_CORES + lax.axis_index("c")
        base = wid * rows_per_w
        start = wid * n_chunks
        astart = pl.multiple_of((start // 8) * 8, 8)
        off = start - astart
        pltpu.sync_copy(idx_hbm.at[pl.ds(astart, idx_window)], idx_v)

        def fire_gather(j, b):
            pltpu.async_copy(table_hbm.at[idx_v.at[off + j]], bufs[b], gsems[b])

        def wait_gather(b):
            pltpu.make_async_copy(
                table_hbm.at[idx_v.at[0]], bufs[b], gsems[b]).wait()

        def fire_out(j, b):
            pltpu.async_copy(
                bufs[b], out_hbm.at[pl.ds(base + j * CHUNK, CHUNK)], osems[b])

        def wait_out(b):
            pltpu.make_async_copy(
                bufs[b], out_hbm.at[pl.ds(base, CHUNK)], osems[b]).wait()

        for j in range(LEAD):
            fire_gather(j, j % RING)

        def step(t, b, first_use, fire_ok):
            j = RING * t + b
            bf = (b + LEAD) % RING
            if fire_ok:
                if not first_use:
                    wait_out(bf)
                fire_gather(j + LEAD, bf)
            wait_gather(b)
            fire_out(j, b)

        for b in range(RING):
            step(0, b, first_use=(b + LEAD < RING), fire_ok=True)

        def body(t, carry):
            for b in range(RING):
                step(t, b, first_use=False, fire_ok=True)
            return carry

        lax.fori_loop(1, n_chunks // RING - 1, body, 0)

        t_last = n_chunks // RING - 1
        for b in range(RING):
            step(t_last, b, first_use=False, fire_ok=(b + LEAD < RING))

        for b in range(RING):
            wait_out(b)

    return sc_gather


def _mask_eos_kernel(ids_ref, mask_ref, eos_ref):
    ids = ids_ref[...]
    mask_ref[...] = ids == PAD_ID
    eos_ref[...] = (ids == EOS_ID).astype(jnp.float32)


def kernel(lookup_ids, embedding_matrix):
    b, s = lookup_ids.shape
    v, d = embedding_matrix.shape
    total = b * s

    ids_t = lookup_ids.T
    idx2 = ids_t.reshape(total // CHUNK, CHUNK)
    gather = _make_sc_gather(total, d)
    flat = gather(embedding_matrix, idx2)
    matrices = flat.reshape(s, b, d).transpose(1, 0, 2)

    mask_t, eos_t = pl.pallas_call(
        _mask_eos_kernel,
        out_shape=(
            jax.ShapeDtypeStruct((s, b), jnp.bool_),
            jax.ShapeDtypeStruct((s, b), jnp.float32),
        ),
    )(ids_t)

    return matrices, mask_t.T, eos_t.T, lookup_ids

# --- scband reference (transcript-rebuilt; emitter-appended) ---
"""Pipeline reference for scband-agent-level-27118423507726 (READ-ONLY COPY).

The authoritative reference and input builder live on the scoring server;
editing this copy changes nothing except your own understanding.
"""

import jax, jax.numpy as jnp
import numpy as np

PAD_TOKEN_ID = 0
EOS_TOKEN_ID = 1
BATCH = 4096
SEQ_LEN = 50
VOCAB = 100000
DIM = 128


def setup_inputs(seed: int = 0) -> dict:
    key = jax.random.key(seed)
    k1, k2 = jax.random.split(key)
    lookup_ids = jax.random.randint(k1, (BATCH, SEQ_LEN), 0, VOCAB, dtype=jnp.int32)
    embedding_matrix = jax.random.normal(k2, (VOCAB, DIM), dtype=jnp.float32)
    return {"lookup_ids": lookup_ids, "embedding_matrix": embedding_matrix}


def reference(lookup_ids, embedding_matrix):
    # Faithful JAX translation of AgentLevel.get_children for level == 0:
    #   mask = lookup_ids == Config.pad_token_id
    #   eos_positions = (lookup_ids == Config.eos_token_id).float()
    #   matrices = torch.index_select(embedding_matrix, 0, lookup_ids.view(-1))
    #   matrices = matrices.view(B, seq_len, vector_size)
    #   labels = lookup_ids
    mask = lookup_ids == PAD_TOKEN_ID
    eos_positions = (lookup_ids == EOS_TOKEN_ID).astype(jnp.float32)
    flat_ids = lookup_ids.reshape(-1)
    matrices = jnp.take(embedding_matrix, flat_ids, axis=0)
    matrices = matrices.reshape(lookup_ids.shape[0], lookup_ids.shape[1], embedding_matrix.shape[1])
    labels = lookup_ids
    return (matrices, mask, eos_positions, labels)

if __name__ == "__main__":
    import jax
    _d = setup_inputs()
    print(jax.jit(kernel)(*tuple(_d.values())))

</pallas_src>

<mosaic_0001>
#map = affine_map<(d0, d1) -> (0, 0)>
module attributes {stable_mosaic.version = 14 : i64} {
  func.func @sc_gather(%arg0: i32, %arg1: i32, %arg2: memref<100000x128xf32, #tpu.memory_space<hbm>>, %arg3: memref<1600x128xi32, #tpu.memory_space<hbm>>, %arg4: memref<204800x128xf32, #tpu.memory_space<hbm>>, %arg5: memref<56x128xi32, #tpu.memory_space<vmem>>, %arg6: memref<128x128xf32, #tpu.memory_space<vmem>>, %arg7: memref<128x128xf32, #tpu.memory_space<vmem>>, %arg8: memref<128x128xf32, #tpu.memory_space<vmem>>, %arg9: memref<128x128xf32, #tpu.memory_space<vmem>>, %arg10: memref<128x128xf32, #tpu.memory_space<vmem>>, %arg11: memref<!tpu.dma_semaphore, #tpu.memory_space<semaphore_mem>>, %arg12: memref<!tpu.dma_semaphore, #tpu.memory_space<semaphore_mem>>, %arg13: memref<!tpu.dma_semaphore, #tpu.memory_space<semaphore_mem>>, %arg14: memref<!tpu.dma_semaphore, #tpu.memory_space<semaphore_mem>>, %arg15: memref<!tpu.dma_semaphore, #tpu.memory_space<semaphore_mem>>, %arg16: memref<!tpu.dma_semaphore, #tpu.memory_space<semaphore_mem>>, %arg17: memref<!tpu.dma_semaphore, #tpu.memory_space<semaphore_mem>>, %arg18: memref<!tpu.dma_semaphore, #tpu.memory_space<semaphore_mem>>, %arg19: memref<!tpu.dma_semaphore, #tpu.memory_space<semaphore_mem>>, %arg20: memref<!tpu.dma_semaphore, #tpu.memory_space<semaphore_mem>>) attributes {dimension_semantics = [#tpu.dimension_semantics<core_parallel>, #tpu.dimension_semantics<subcore_parallel>], iteration_bounds = array<i64: 2, 16>, scalar_prefetch = 0 : i64, scratch_operands = 16 : i64, tpu.core_type = #tpu.core_type<sc_vector_subcore>, window_params = [{transform_indices = #map}, {transform_indices = #map}, {transform_indices = #map}]} {
    %mul3A = arith.constant 2 : i32
    %mul3A_0 = arith.muli %arg1, %mul3A : i32
    %add3A = arith.addi %mul3A_0, %arg0 : i32
    %mul3A_1 = arith.constant 6400 : i32
    %mul3A_2 = arith.muli %add3A, %mul3A_1 : i32
    %mul3A_3 = arith.constant 50 : i32
    %mul3A_4 = arith.muli %add3A, %mul3A_3 : i32
    %jit3A = arith.constant 8 : i32
    %div3A = arith.divsi %mul3A_4, %jit3A : i32
    %sign3A = arith.constant 0 : i32
    %sign3A_5 = arith.cmpi sgt, %mul3A_4, %sign3A : i32
    %sign3A_6 = arith.extui %sign3A_5 : i1 to i32
    %sign3A_7 = arith.constant 0 : i32
    %sign3A_8 = arith.cmpi slt, %mul3A_4, %sign3A_7 : i32
    %sign3A_9 = arith.extui %sign3A_8 : i1 to i32
    %sign3A_10 = arith.subi %sign3A_6, %sign3A_9 : i32
    %sign3A_11 = arith.constant 0 : i32
    %sign3A_12 = arith.cmpi sgt, %jit3A, %sign3A_11 : i32
    %sign3A_13 = arith.extui %sign3A_12 : i1 to i32
    %sign3A_14 = arith.constant 0 : i32
    %sign3A_15 = arith.cmpi slt, %jit3A, %sign3A_14 : i32
    %sign3A_16 = arith.extui %sign3A_15 : i1 to i32
    %sign3A_17 = arith.subi %sign3A_13, %sign3A_16 : i32
    %ne3A = arith.cmpi ne, %sign3A_10, %sign3A_17 : i32
    %rem3A = arith.remsi %mul3A_4, %jit3A : i32
    %ne3A_18 = arith.constant 0 : i32
    %ne3A_19 = arith.cmpi ne, %rem3A, %ne3A_18 : i32
    %and3A = arith.andi %ne3A, %ne3A_19 : i1
    %sub3A = arith.constant 1 : i32
    %sub3A_20 = arith.subi %div3A, %sub3A : i32
    %select_n3A = arith.select %and3A, %sub3A_20, %div3A : i32
    %mul3A_21 = arith.constant 8 : i32
    %mul3A_22 = arith.muli %select_n3A, %mul3A_21 : i32
    %multiple_of3A = tpu.assume_multiple %mul3A_22, 8 : i32
    %sub3A_23 = arith.subi %mul3A_4, %multiple_of3A : i32
    "tpu.region"() ({
      %run_scoped3A = tpu.sem_alloc : memref<!tpu.dma_semaphore, #tpu.memory_space<semaphore_mem>>
      %dma_start3A_277 = arith.constant 0 : i32
      %dma_start3A_278 = tpu.memref_slice %arg3[%multiple_of3A, %dma_start3A_277] : memref<1600x128xi32, #tpu.memory_space<hbm>> -> memref<56x128xi32, #tpu.memory_space<hbm>>
      %dma_start3A_279 = arith.constant 0 : i32
      %dma_start3A_280 = tpu.memref_slice %arg3[%multiple_of3A, %dma_start3A_279] : memref<1600x128xi32, #tpu.memory_space<hbm>> -> memref<56x128xi32, #tpu.memory_space<hbm>>
      tpu.enqueue_dma source(%dma_start3A_280 : memref<56x128xi32, #tpu.memory_space<hbm>>) target(%arg5 : memref<56x128xi32, #tpu.memory_space<vmem>>) target_semaphore(%run_scoped3A : memref<!tpu.dma_semaphore, #tpu.memory_space<semaphore_mem>>)
      %dma_wait3A_281 = arith.constant 0 : i32
      %dma_wait3A_282 = tpu.memref_slice %arg3[%multiple_of3A, %dma_wait3A_281] : memref<1600x128xi32, #tpu.memory_space<hbm>> -> memref<56x128xi32, #tpu.memory_space<hbm>>
      %dma_wait3A_283 = arith.constant 0 : i32
      %dma_wait3A_284 = tpu.memref_slice %arg3[%multiple_of3A, %dma_wait3A_283] : memref<1600x128xi32, #tpu.memory_space<hbm>> -> memref<56x128xi32, #tpu.memory_space<hbm>>
      tpu.wait_dma2 semaphore(%run_scoped3A : memref<!tpu.dma_semaphore, #tpu.memory_space<semaphore_mem>>) src(%dma_wait3A_284 : memref<56x128xi32, #tpu.memory_space<hbm>>) dst(%arg5 : memref<56x128xi32, #tpu.memory_space<vmem>>)
      tpu.yield
    }) : () -> ()
    %add3A_24 = arith.constant 0 : i32
    %add3A_25 = arith.addi %sub3A_23, %add3A_24 : i32
    %dma_start3A = arith.constant 0 : i32
    %dma_start3A_26 = tpu.memref_slice %arg5[%add3A_25, %dma_start3A] : memref<56x128xi32, #tpu.memory_space<vmem>> -> memref<1x128xi32, #tpu.memory_space<vmem>>
    %dma_start3A_27 = tpu.memref_squeeze %dma_start3A_26 : memref<1x128xi32, #tpu.memory_space<vmem>> -> memref<128xi32, #tpu.memory_space<vmem>>
    %dma_start3A_28 = arith.constant 0 : i32
    %dma_start3A_29 = arith.constant 0 : i32
    %dma_start3A_30 = tpu.memref_slice %arg2[%dma_start3A_28, %dma_start3A_29] : memref<100000x128xf32, #tpu.memory_space<hbm>> -> memref<100000x128xf32, #tpu.memory_space<hbm>>
    tpu.enqueue_indirect_dma source(%dma_start3A_30 : memref<100000x128xf32, #tpu.memory_space<hbm>>) target(%arg6 : memref<128x128xf32, #tpu.memory_space<vmem>>) offsets(%dma_start3A_27 : memref<128xi32, #tpu.memory_space<vmem>>) semaphore(%arg11 : memref<!tpu.dma_semaphore, #tpu.memory_space<semaphore_mem>>)
    %add3A_31 = arith.constant 1 : i32
    %add3A_32 = arith.addi %sub3A_23, %add3A_31 : i32
    %dma_start3A_33 = arith.constant 0 : i32
    %dma_start3A_34 = tpu.memref_slice %arg5[%add3A_32, %dma_start3A_33] : memref<56x128xi32, #tpu.memory_space<vmem>> -> memref<1x128xi32, #tpu.memory_space<vmem>>
    %dma_start3A_35 = tpu.memref_squeeze %dma_start3A_34 : memref<1x128xi32, #tpu.memory_space<vmem>> -> memref<128xi32, #tpu.memory_space<vmem>>
    %dma_start3A_36 = arith.constant 0 : i32
    %dma_start3A_37 = arith.constant 0 : i32
    %dma_start3A_38 = tpu.memref_slice %arg2[%dma_start3A_36, %dma_start3A_37] : memref<100000x128xf32, #tpu.memory_space<hbm>> -> memref<100000x128xf32, #tpu.memory_space<hbm>>
    tpu.enqueue_indirect_dma source(%dma_start3A_38 : memref<100000x128xf32, #tpu.memory_space<hbm>>) target(%arg7 : memref<128x128xf32, #tpu.memory_space<vmem>>) offsets(%dma_start3A_35 : memref<128xi32, #tpu.memory_space<vmem>>) semaphore(%arg12 : memref<!tpu.dma_semaphore, #tpu.memory_space<semaphore_mem>>)
    %add3A_39 = arith.constant 2 : i32
    %add3A_40 = arith.addi %sub3A_23, %add3A_39 : i32
    %dma_start3A_41 = arith.constant 0 : i32
    %dma_start3A_42 = tpu.memref_slice %arg5[%add3A_40, %dma_start3A_41] : memref<56x128xi32, #tpu.memory_space<vmem>> -> memref<1x128xi32, #tpu.memory_space<vmem>>
    %dma_start3A_43 = tpu.memref_squeeze %dma_start3A_42 : memref<1x128xi32, #tpu.memory_space<vmem>> -> memref<128xi32, #tpu.memory_space<vmem>>
    %dma_start3A_44 = arith.constant 0 : i32
    %dma_start3A_45 = arith.constant 0 : i32
    %dma_start3A_46 = tpu.memref_slice %arg2[%dma_start3A_44, %dma_start3A_45] : memref<100000x128xf32, #tpu.memory_space<hbm>> -> memref<100000x128xf32, #tpu.memory_space<hbm>>
    tpu.enqueue_indirect_dma source(%dma_start3A_46 : memref<100000x128xf32, #tpu.memory_space<hbm>>) target(%arg8 : memref<128x128xf32, #tpu.memory_space<vmem>>) offsets(%dma_start3A_43 : memref<128xi32, #tpu.memory_space<vmem>>) semaphore(%arg13 : memref<!tpu.dma_semaphore, #tpu.memory_space<semaphore_mem>>)
    %add3A_47 = arith.constant 3 : i32
    %add3A_48 = arith.addi %sub3A_23, %add3A_47 : i32
    %dma_start3A_49 = arith.constant 0 : i32
    %dma_start3A_50 = tpu.memref_slice %arg5[%add3A_48, %dma_start3A_49] : memref<56x128xi32, #tpu.memory_space<vmem>> -> memref<1x128xi32, #tpu.memory_space<vmem>>
    %dma_start3A_51 = tpu.memref_squeeze %dma_start3A_50 : memref<1x128xi32, #tpu.memory_space<vmem>> -> memref<128xi32, #tpu.memory_space<vmem>>
    %dma_start3A_52 = arith.constant 0 : i32
    %dma_start3A_53 = arith.constant 0 : i32
    %dma_start3A_54 = tpu.memref_slice %arg2[%dma_start3A_52, %dma_start3A_53] : memref<100000x128xf32, #tpu.memory_space<hbm>> -> memref<100000x128xf32, #tpu.memory_space<hbm>>
    tpu.enqueue_indirect_dma source(%dma_start3A_54 : memref<100000x128xf32, #tpu.memory_space<hbm>>) target(%arg9 : memref<128x128xf32, #tpu.memory_space<vmem>>) offsets(%dma_start3A_51 : memref<128xi32, #tpu.memory_space<vmem>>) semaphore(%arg14 : memref<!tpu.dma_semaphore, #tpu.memory_space<semaphore_mem>>)
    %add3A_55 = arith.constant 4 : i32
    %add3A_56 = arith.addi %sub3A_23, %add3A_55 : i32
    %dma_start3A_57 = arith.constant 0 : i32
    %dma_start3A_58 = tpu.memref_slice %arg5[%add3A_56, %dma_start3A_57] : memref<56x128xi32, #tpu.memory_space<vmem>> -> memref<1x128xi32, #tpu.memory_space<vmem>>
    %dma_start3A_59 = tpu.memref_squeeze %dma_start3A_58 : memref<1x128xi32, #tpu.memory_space<vmem>> -> memref<128xi32, #tpu.memory_space<vmem>>
    %dma_start3A_60 = arith.constant 0 : i32
    %dma_start3A_61 = arith.constant 0 : i32
    %dma_start3A_62 = tpu.memref_slice %arg2[%dma_start3A_60, %dma_start3A_61] : memref<100000x128xf32, #tpu.memory_space<hbm>> -> memref<100000x128xf32, #tpu.memory_space<hbm>>
    tpu.enqueue_indirect_dma source(%dma_start3A_62 : memref<100000x128xf32, #tpu.memory_space<hbm>>) target(%arg10 : memref<128x128xf32, #tpu.memory_space<vmem>>) offsets(%dma_start3A_59 : memref<128xi32, #tpu.memory_space<vmem>>) semaphore(%arg15 : memref<!tpu.dma_semaphore, #tpu.memory_space<semaphore_mem>>)
    %dma_wait3A = arith.constant 0 : i32
    %dma_wait3A_63 = arith.constant 0 : i32
    %dma_wait3A_64 = tpu.memref_slice %arg5[%dma_wait3A, %dma_wait3A_63] : memref<56x128xi32, #tpu.memory_space<vmem>> -> memref<1x128xi32, #tpu.memory_space<vmem>>
    %dma_wait3A_65 = tpu.memref_squeeze %dma_wait3A_64 : memref<1x128xi32, #tpu.memory_space<vmem>> -> memref<128xi32, #tpu.memory_space<vmem>>
    %dma_wait3A_66 = arith.constant 0 : i32
    %dma_wait3A_67 = arith.constant 0 : i32
    %dma_wait3A_68 = tpu.memref_slice %arg2[%dma_wait3A_66, %dma_wait3A_67] : memref<100000x128xf32, #tpu.memory_space<hbm>> -> memref<100000x128xf32, #tpu.memory_space<hbm>>
    tpu.wait_indirect_dma semaphore(%arg11 : memref<!tpu.dma_semaphore, #tpu.memory_space<semaphore_mem>>) src(%dma_wait3A_68 : memref<100000x128xf32, #tpu.memory_space<hbm>>) dst(%arg6 : memref<128x128xf32, #tpu.memory_space<vmem>>)
    %add3A_69 = arith.constant 0 : i32
    %add3A_70 = arith.addi %mul3A_2, %add3A_69 : i32
    %dma_start3A_71 = arith.constant 0 : i32
    %dma_start3A_72 = tpu.memref_slice %arg4[%add3A_70, %dma_start3A_71] : memref<204800x128xf32, #tpu.memory_space<hbm>> -> memref<128x128xf32, #tpu.memory_space<hbm>>
    %dma_start3A_73 = arith.constant 0 : i32
    %dma_start3A_74 = tpu.memref_slice %arg4[%add3A_70, %dma_start3A_73] : memref<204800x128xf32, #tpu.memory_space<hbm>> -> memref<128x128xf32, #tpu.memory_space<hbm>>
    tpu.enqueue_dma source(%arg6 : memref<128x128xf32, #tpu.memory_space<vmem>>) target(%dma_start3A_74 : memref<128x128xf32, #tpu.memory_space<hbm>>) target_semaphore(%arg16 : memref<!tpu.dma_semaphore, #tpu.memory_space<semaphore_mem>>)
    %dma_wait3A_75 = arith.constant 0 : i32
    %dma_wait3A_76 = tpu.memref_slice %arg4[%mul3A_2, %dma_wait3A_75] : memref<204800x128xf32, #tpu.memory_space<hbm>> -> memref<128x128xf32, #tpu.memory_space<hbm>>
    %dma_wait3A_77 = arith.constant 0 : i32
    %dma_wait3A_78 = tpu.memref_slice %arg4[%mul3A_2, %dma_wait3A_77] : memref<204800x128xf32, #tpu.memory_space<hbm>> -> memref<128x128xf32, #tpu.memory_space<hbm>>
    tpu.wait_dma2 semaphore(%arg16 : memref<!tpu.dma_semaphore, #tpu.memory_space<semaphore_mem>>) src(%arg6 : memref<128x128xf32, #tpu.memory_space<vmem>>) dst(%dma_wait3A_78 : memref<128x128xf32, #tpu.memory_space<hbm>>)
    %add3A_79 = arith.constant 5 : i32
    %add3A_80 = arith.addi %sub3A_23, %add3A_79 : i32
    %dma_start3A_81 = arith.constant 0 : i32
    %dma_start3A_82 = tpu.memref_slice %arg5[%add3A_80, %dma_start3A_81] : memref<56x128xi32, #tpu.memory_space<vmem>> -> memref<1x128xi32, #tpu.memory_space<vmem>>
    %dma_start3A_83 = tpu.memref_squeeze %dma_start3A_82 : memref<1x128xi32, #tpu.memory_space<vmem>> -> memref<128xi32, #tpu.memory_space<vmem>>
    %dma_start3A_84 = arith.constant 0 : i32
    %dma_start3A_85 = arith.constant 0 : i32
    %dma_start3A_86 = tpu.memref_slice %arg2[%dma_start3A_84, %dma_start3A_85] : memref<100000x128xf32, #tpu.memory_space<hbm>> -> memref<100000x128xf32, #tpu.memory_space<hbm>>
    tpu.enqueue_indirect_dma source(%dma_start3A_86 : memref<100000x128xf32, #tpu.memory_space<hbm>>) target(%arg6 : memref<128x128xf32, #tpu.memory_space<vmem>>) offsets(%dma_start3A_83 : memref<128xi32, #tpu.memory_space<vmem>>) semaphore(%arg11 : memref<!tpu.dma_semaphore, #tpu.memory_space<semaphore_mem>>)
    %dma_wait3A_87 = arith.constant 0 : i32
    %dma_wait3A_88 = arith.constant 0 : i32
    %dma_wait3A_89 = tpu.memref_slice %arg5[%dma_wait3A_87, %dma_wait3A_88] : memref<56x128xi32, #tpu.memory_space<vmem>> -> memref<1x128xi32, #tpu.memory_space<vmem>>
    %dma_wait3A_90 = tpu.memref_squeeze %dma_wait3A_89 : memref<1x128xi32, #tpu.memory_space<vmem>> -> memref<128xi32, #tpu.memory_space<vmem>>
    %dma_wait3A_91 = arith.constant 0 : i32
    %dma_wait3A_92 = arith.constant 0 : i32
    %dma_wait3A_93 = tpu.memref_slice %arg2[%dma_wait3A_91, %dma_wait3A_92] : memref<100000x128xf32, #tpu.memory_space<hbm>> -> memref<100000x128xf32, #tpu.memory_space<hbm>>
    tpu.wait_indirect_dma semaphore(%arg12 : memref<!tpu.dma_semaphore, #tpu.memory_space<semaphore_mem>>) src(%dma_wait3A_93 : memref<100000x128xf32, #tpu.memory_space<hbm>>) dst(%arg7 : memref<128x128xf32, #tpu.memory_space<vmem>>)
    %add3A_94 = arith.constant 128 : i32
    %add3A_95 = arith.addi %mul3A_2, %add3A_94 : i32
    %dma_start3A_96 = arith.constant 0 : i32
    %dma_start3A_97 = tpu.memref_slice %arg4[%add3A_95, %dma_start3A_96] : memref<204800x128xf32, #tpu.memory_space<hbm>> -> memref<128x128xf32, #tpu.memory_space<hbm>>
    %dma_start3A_98 = arith.constant 0 : i32
    %dma_start3A_99 = tpu.memref_slice %arg4[%add3A_95, %dma_start3A_98] : memref<204800x128xf32, #tpu.memory_space<hbm>> -> memref<128x128xf32, #tpu.memory_space<hbm>>
    tpu.enqueue_dma source(%arg7 : memref<128x128xf32, #tpu.memory_space<vmem>>) target(%dma_start3A_99 : memref<128x128xf32, #tpu.memory_space<hbm>>) target_semaphore(%arg17 : memref<!tpu.dma_semaphore, #tpu.memory_space<semaphore_mem>>)
    %dma_wait3A_100 = arith.constant 0 : i32
    %dma_wait3A_101 = tpu.memref_slice %arg4[%mul3A_2, %dma_wait3A_100] : memref<204800x128xf32, #tpu.memory_space<hbm>> -> memref<128x128xf32, #tpu.memory_space<hbm>>
    %dma_wait3A_102 = arith.constant 0 : i32
    %dma_wait3A_103 = tpu.memref_slice %arg4[%mul3A_2, %dma_wait3A_102] : memref<204800x128xf32, #tpu.memory_space<hbm>> -> memref<128x128xf32, #tpu.memory_space<hbm>>
    tpu.wait_dma2 semaphore(%arg17 : memref<!tpu.dma_semaphore, #tpu.memory_space<semaphore_mem>>) src(%arg7 : memref<128x128xf32, #tpu.memory_space<vmem>>) dst(%dma_wait3A_103 : memref<128x128xf32, #tpu.memory_space<hbm>>)
    %add3A_104 = arith.constant 6 : i32
    %add3A_105 = arith.addi %sub3A_23, %add3A_104 : i32
    %dma_start3A_106 = arith.constant 0 : i32
    %dma_start3A_107 = tpu.memref_slice %arg5[%add3A_105, %dma_start3A_106] : memref<56x128xi32, #tpu.memory_space<vmem>> -> memref<1x128xi32, #tpu.memory_space<vmem>>
    %dma_start3A_108 = tpu.memref_squeeze %dma_start3A_107 : memref<1x128xi32, #tpu.memory_space<vmem>> -> memref<128xi32, #tpu.memory_space<vmem>>
    %dma_start3A_109 = arith.constant 0 : i32
    %dma_start3A_110 = arith.constant 0 : i32
    %dma_start3A_111 = tpu.memref_slice %arg2[%dma_start3A_109, %dma_start3A_110] : memref<100000x128xf32, #tpu.memory_space<hbm>> -> memref<100000x128xf32, #tpu.memory_space<hbm>>
    tpu.enqueue_indirect_dma source(%dma_start3A_111 : memref<100000x128xf32, #tpu.memory_space<hbm>>) target(%arg7 : memref<128x128xf32, #tpu.memory_space<vmem>>) offsets(%dma_start3A_108 : memref<128xi32, #tpu.memory_space<vmem>>) semaphore(%arg12 : memref<!tpu.dma_semaphore, #tpu.memory_space<semaphore_mem>>)
    %dma_wait3A_112 = arith.constant 0 : i32
    %dma_wait3A_113 = arith.constant 0 : i32
    %dma_wait3A_114 = tpu.memref_slice %arg5[%dma_wait3A_112, %dma_wait3A_113] : memref<56x128xi32, #tpu.memory_space<vmem>> -> memref<1x128xi32, #tpu.memory_space<vmem>>
    %dma_wait3A_115 = tpu.memref_squeeze %dma_wait3A_114 : memref<1x128xi32, #tpu.memory_space<vmem>> -> memref<128xi32, #tpu.memory_space<vmem>>
    %dma_wait3A_116 = arith.constant 0 : i32
    %dma_wait3A_117 = arith.constant 0 : i32
    %dma_wait3A_118 = tpu.memref_slice %arg2[%dma_wait3A_116, %dma_wait3A_117] : memref<100000x128xf32, #tpu.memory_space<hbm>> -> memref<100000x128xf32, #tpu.memory_space<hbm>>
    tpu.wait_indirect_dma semaphore(%arg13 : memref<!tpu.dma_semaphore, #tpu.memory_space<semaphore_mem>>) src(%dma_wait3A_118 : memref<100000x128xf32, #tpu.memory_space<hbm>>) dst(%arg8 : memref<128x128xf32, #tpu.memory_space<vmem>>)
    %add3A_119 = arith.constant 256 : i32
    %add3A_120 = arith.addi %mul3A_2, %add3A_119 : i32
    %dma_start3A_121 = arith.constant 0 : i32
    %dma_start3A_122 = tpu.memref_slice %arg4[%add3A_120, %dma_start3A_121] : memref<204800x128xf32, #tpu.memory_space<hbm>> -> memref<128x128xf32, #tpu.memory_space<hbm>>
    %dma_start3A_123 = arith.constant 0 : i32
    %dma_start3A_124 = tpu.memref_slice %arg4[%add3A_120, %dma_start3A_123] : memref<204800x128xf32, #tpu.memory_space<hbm>> -> memref<128x128xf32, #tpu.memory_space<hbm>>
    tpu.enqueue_dma source(%arg8 : memref<128x128xf32, #tpu.memory_space<vmem>>) target(%dma_start3A_124 : memref<128x128xf32, #tpu.memory_space<hbm>>) target_semaphore(%arg18 : memref<!tpu.dma_semaphore, #tpu.memory_space<semaphore_mem>>)
    %dma_wait3A_125 = arith.constant 0 : i32
    %dma_wait3A_126 = tpu.memref_slice %arg4[%mul3A_2, %dma_wait3A_125] : memref<204800x128xf32, #tpu.memory_space<hbm>> -> memref<128x128xf32, #tpu.memory_space<hbm>>
    %dma_wait3A_127 = arith.constant 0 : i32
    %dma_wait3A_128 = tpu.memref_slice %arg4[%mul3A_2, %dma_wait3A_127] : memref<204800x128xf32, #tpu.memory_space<hbm>> -> memref<128x128xf32, #tpu.memory_space<hbm>>
    tpu.wait_dma2 semaphore(%arg18 : memref<!tpu.dma_semaphore, #tpu.memory_space<semaphore_mem>>) src(%arg8 : memref<128x128xf32, #tpu.memory_space<vmem>>) dst(%dma_wait3A_128 : memref<128x128xf32, #tpu.memory_space<hbm>>)
    %add3A_129 = arith.constant 7 : i32
    %add3A_130 = arith.addi %sub3A_23, %add3A_129 : i32
    %dma_start3A_131 = arith.constant 0 : i32
    %dma_start3A_132 = tpu.memref_slice %arg5[%add3A_130, %dma_start3A_131] : memref<56x128xi32, #tpu.memory_space<vmem>> -> memref<1x128xi32, #tpu.memory_space<vmem>>
    %dma_start3A_133 = tpu.memref_squeeze %dma_start3A_132 : memref<1x128xi32, #tpu.memory_space<vmem>> -> memref<128xi32, #tpu.memory_space<vmem>>
    %dma_start3A_134 = arith.constant 0 : i32
    %dma_start3A_135 = arith.constant 0 : i32
    %dma_start3A_136 = tpu.memref_slice %arg2[%dma_start3A_134, %dma_start3A_135] : memref<100000x128xf32, #tpu.memory_space<hbm>> -> memref<100000x128xf32, #tpu.memory_space<hbm>>
    tpu.enqueue_indirect_dma source(%dma_start3A_136 : memref<100000x128xf32, #tpu.memory_space<hbm>>) target(%arg8 : memref<128x128xf32, #tpu.memory_space<vmem>>) offsets(%dma_start3A_133 : memref<128xi32, #tpu.memory_space<vmem>>) semaphore(%arg13 : memref<!tpu.dma_semaphore, #tpu.memory_space<semaphore_mem>>)
    %dma_wait3A_137 = arith.constant 0 : i32
    %dma_wait3A_138 = arith.constant 0 : i32
    %dma_wait3A_139 = tpu.memref_slice %arg5[%dma_wait3A_137, %dma_wait3A_138] : memref<56x128xi32, #tpu.memory_space<vmem>> -> memref<1x128xi32, #tpu.memory_space<vmem>>
    %dma_wait3A_140 = tpu.memref_squeeze %dma_wait3A_139 : memref<1x128xi32, #tpu.memory_space<vmem>> -> memref<128xi32, #tpu.memory_space<vmem>>
    %dma_wait3A_141 = arith.constant 0 : i32
    %dma_wait3A_142 = arith.constant 0 : i32
    %dma_wait3A_143 = tpu.memref_slice %arg2[%dma_wait3A_141, %dma_wait3A_142] : memref<100000x128xf32, #tpu.memory_space<hbm>> -> memref<100000x128xf32, #tpu.memory_space<hbm>>
    tpu.wait_indirect_dma semaphore(%arg14 : memref<!tpu.dma_semaphore, #tpu.memory_space<semaphore_mem>>) src(%dma_wait3A_143 : memref<100000x128xf32, #tpu.memory_space<hbm>>) dst(%arg9 : memref<128x128xf32, #tpu.memory_space<vmem>>)
    %add3A_144 = arith.constant 384 : i32
    %add3A_145 = arith.addi %mul3A_2, %add3A_144 : i32
    %dma_start3A_146 = arith.constant 0 : i32
    %dma_start3A_147 = tpu.memref_slice %arg4[%add3A_145, %dma_start3A_146] : memref<204800x128xf32, #tpu.memory_space<hbm>> -> memref<128x128xf32, #tpu.memory_space<hbm>>
    %dma_start3A_148 = arith.constant 0 : i32
    %dma_start3A_149 = tpu.memref_slice %arg4[%add3A_145, %dma_start3A_148] : memref<204800x128xf32, #tpu.memory_space<hbm>> -> memref<128x128xf32, #tpu.memory_space<hbm>>
    tpu.enqueue_dma source(%arg9 : memref<128x128xf32, #tpu.memory_space<vmem>>) target(%dma_start3A_149 : memref<128x128xf32, #tpu.memory_space<hbm>>) target_semaphore(%arg19 : memref<!tpu.dma_semaphore, #tpu.memory_space<semaphore_mem>>)
    %dma_wait3A_150 = arith.constant 0 : i32
    %dma_wait3A_151 = tpu.memref_slice %arg4[%mul3A_2, %dma_wait3A_150] : memref<204800x128xf32, #tpu.memory_space<hbm>> -> memref<128x128xf32, #tpu.memory_space<hbm>>
    %dma_wait3A_152 = arith.constant 0 : i32
    %dma_wait3A_153 = tpu.memref_slice %arg4[%mul3A_2, %dma_wait3A_152] : memref<204800x128xf32, #tpu.memory_space<hbm>> -> memref<128x128xf32, #tpu.memory_space<hbm>>
    tpu.wait_dma2 semaphore(%arg19 : memref<!tpu.dma_semaphore, #tpu.memory_space<semaphore_mem>>) src(%arg9 : memref<128x128xf32, #tpu.memory_space<vmem>>) dst(%dma_wait3A_153 : memref<128x128xf32, #tpu.memory_space<hbm>>)
    %add3A_154 = arith.constant 8 : i32
    %add3A_155 = arith.addi %sub3A_23, %add3A_154 : i32
    %dma_start3A_156 = arith.constant 0 : i32
    %dma_start3A_157 = tpu.memref_slice %arg5[%add3A_155, %dma_start3A_156] : memref<56x128xi32, #tpu.memory_space<vmem>> -> memref<1x128xi32, #tpu.memory_space<vmem>>
    %dma_start3A_158 = tpu.memref_squeeze %dma_start3A_157 : memref<1x128xi32, #tpu.memory_space<vmem>> -> memref<128xi32, #tpu.memory_space<vmem>>
    %dma_start3A_159 = arith.constant 0 : i32
    %dma_start3A_160 = arith.constant 0 : i32
    %dma_start3A_161 = tpu.memref_slice %arg2[%dma_start3A_159, %dma_start3A_160] : memref<100000x128xf32, #tpu.memory_space<hbm>> -> memref<100000x128xf32, #tpu.memory_space<hbm>>
    tpu.enqueue_indirect_dma source(%dma_start3A_161 : memref<100000x128xf32, #tpu.memory_space<hbm>>) target(%arg9 : memref<128x128xf32, #tpu.memory_space<vmem>>) offsets(%dma_start3A_158 : memref<128xi32, #tpu.memory_space<vmem>>) semaphore(%arg14 : memref<!tpu.dma_semaphore, #tpu.memory_space<semaphore_mem>>)
    %dma_wait3A_162 = arith.constant 0 : i32
    %dma_wait3A_163 = arith.constant 0 : i32
    %dma_wait3A_164 = tpu.memref_slice %arg5[%dma_wait3A_162, %dma_wait3A_163] : memref<56x128xi32, #tpu.memory_space<vmem>> -> memref<1x128xi32, #tpu.memory_space<vmem>>
    %dma_wait3A_165 = tpu.memref_squeeze %dma_wait3A_164 : memref<1x128xi32, #tpu.memory_space<vmem>> -> memref<128xi32, #tpu.memory_space<vmem>>
    %dma_wait3A_166 = arith.constant 0 : i32
    %dma_wait3A_167 = arith.constant 0 : i32
    %dma_wait3A_168 = tpu.memref_slice %arg2[%dma_wait3A_166, %dma_wait3A_167] : memref<100000x128xf32, #tpu.memory_space<hbm>> -> memref<100000x128xf32, #tpu.memory_space<hbm>>
    tpu.wait_indirect_dma semaphore(%arg15 : memref<!tpu.dma_semaphore, #tpu.memory_space<semaphore_mem>>) src(%dma_wait3A_168 : memref<100000x128xf32, #tpu.memory_space<hbm>>) dst(%arg10 : memref<128x128xf32, #tpu.memory_space<vmem>>)
    %add3A_169 = arith.constant 512 : i32
    %add3A_170 = arith.addi %mul3A_2, %add3A_169 : i32
    %dma_start3A_171 = arith.constant 0 : i32
    %dma_start3A_172 = tpu.memref_slice %arg4[%add3A_170, %dma_start3A_171] : memref<204800x128xf32, #tpu.memory_space<hbm>> -> memref<128x128xf32, #tpu.memory_space<hbm>>
    %dma_start3A_173 = arith.constant 0 : i32
    %dma_start3A_174 = tpu.memref_slice %arg4[%add3A_170, %dma_start3A_173] : memref<204800x128xf32, #tpu.memory_space<hbm>> -> memref<128x128xf32, #tpu.memory_space<hbm>>
    tpu.enqueue_dma source(%arg10 : memref<128x128xf32, #tpu.memory_space<vmem>>) target(%dma_start3A_174 : memref<128x128xf32, #tpu.memory_space<hbm>>) target_semaphore(%arg20 : memref<!tpu.dma_semaphore, #tpu.memory_space<semaphore_mem>>)
    %scan3A = arith.constant 0 : i32
    %scan3A_175 = arith.constant 1 : i32
    %scan3A_176 = arith.constant 8 : i32
    %scan3A_177 = arith.addi %scan3A_175, %scan3A_176 : i32
    %scan3A_178 = arith.constant 1 : i32
    scf.for %scan3A_277 = %scan3A_175 to %scan3A_177 step %scan3A_178  : i32 {
      %mul3A_278 = arith.constant 5 : i32
      %mul3A_279 = arith.muli %mul3A_278, %scan3A_277 : i32
      %add3A_280 = arith.constant 0 : i32
      %add3A_281 = arith.addi %mul3A_279, %add3A_280 : i32
      %dma_wait3A_282 = arith.constant 0 : i32
      %dma_wait3A_283 = tpu.memref_slice %arg4[%mul3A_2, %dma_wait3A_282] : memref<204800x128xf32, #tpu.memory_space<hbm>> -> memref<128x128xf32, #tpu.memory_space<hbm>>
      %dma_wait3A_284 = arith.constant 0 : i32
      %dma_wait3A_285 = tpu.memref_slice %arg4[%mul3A_2, %dma_wait3A_284] : memref<204800x128xf32, #tpu.memory_space<hbm>> -> memref<128x128xf32, #tpu.memory_space<hbm>>
      tpu.wait_dma2 semaphore(%arg20 : memref<!tpu.dma_semaphore, #tpu.memory_space<semaphore_mem>>) src(%arg10 : memref<128x128xf32, #tpu.memory_space<vmem>>) dst(%dma_wait3A_285 : memref<128x128xf32, #tpu.memory_space<hbm>>)
      %add3A_286 = arith.constant 4 : i32
      %add3A_287 = arith.addi %add3A_281, %add3A_286 : i32
      %add3A_288 = arith.addi %sub3A_23, %add3A_287 : i32
      %dma_start3A_289 = arith.constant 0 : i32
      %dma_start3A_290 = tpu.memref_slice %arg5[%add3A_288, %dma_start3A_289] : memref<56x128xi32, #tpu.memory_space<vmem>> -> memref<1x128xi32, #tpu.memory_space<vmem>>
      %dma_start3A_291 = tpu.memref_squeeze %dma_start3A_290 : memref<1x128xi32, #tpu.memory_space<vmem>> -> memref<128xi32, #tpu.memory_space<vmem>>
      %dma_start3A_292 = arith.constant 0 : i32
      %dma_start3A_293 = arith.constant 0 : i32
      %dma_start3A_294 = tpu.memref_slice %arg2[%dma_start3A_292, %dma_start3A_293] : memref<100000x128xf32, #tpu.memory_space<hbm>> -> memref<100000x128xf32, #tpu.memory_space<hbm>>
      tpu.enqueue_indirect_dma source(%dma_start3A_294 : memref<100000x128xf32, #tpu.memory_space<hbm>>) target(%arg10 : memref<128x128xf32, #tpu.memory_space<vmem>>) offsets(%dma_start3A_291 : memref<128xi32, #tpu.memory_space<vmem>>) semaphore(%arg15 : memref<!tpu.dma_semaphore, #tpu.memory_space<semaphore_mem>>)
      %dma_wait3A_295 = arith.constant 0 : i32
      %dma_wait3A_296 = arith.constant 0 : i32
      %dma_wait3A_297 = tpu.memref_slice %arg5[%dma_wait3A_295, %dma_wait3A_296] : memref<56x128xi32, #tpu.memory_space<vmem>> -> memref<1x128xi32, #tpu.memory_space<vmem>>
      %dma_wait3A_298 = tpu.memref_squeeze %dma_wait3A_297 : memref<1x128xi32, #tpu.memory_space<vmem>> -> memref<128xi32, #tpu.memory_space<vmem>>
      %dma_wait3A_299 = arith.constant 0 : i32
      %dma_wait3A_300 = arith.constant 0 : i32
      %dma_wait3A_301 = tpu.memref_slice %arg2[%dma_wait3A_299, %dma_wait3A_300] : memref<100000x128xf32, #tpu.memory_space<hbm>> -> memref<100000x128xf32, #tpu.memory_space<hbm>>
      tpu.wait_indirect_dma semaphore(%arg11 : memref<!tpu.dma_semaphore, #tpu.memory_space<semaphore_mem>>) src(%dma_wait3A_301 : memref<100000x128xf32, #tpu.memory_space<hbm>>) dst(%arg6 : memref<128x128xf32, #tpu.memory_space<vmem>>)
      %mul3A_302 = arith.constant 128 : i32
      %mul3A_303 = arith.muli %add3A_281, %mul3A_302 : i32
      %add3A_304 = arith.addi %mul3A_2, %mul3A_303 : i32
      %dma_start3A_305 = arith.constant 0 : i32
      %dma_start3A_306 = tpu.memref_slice %arg4[%add3A_304, %dma_start3A_305] : memref<204800x128xf32, #tpu.memory_space<hbm>> -> memref<128x128xf32, #tpu.memory_space<hbm>>
      %dma_start3A_307 = arith.constant 0 : i32
      %dma_start3A_308 = tpu.memref_slice %arg4[%add3A_304, %dma_start3A_307] : memref<204800x128xf32, #tpu.memory_space<hbm>> -> memref<128x128xf32, #tpu.memory_space<hbm>>
      tpu.enqueue_dma source(%arg6 : memref<128x128xf32, #tpu.memory_space<vmem>>) target(%dma_start3A_308 : memref<128x128xf32, #tpu.memory_space<hbm>>) target_semaphore(%arg16 : memref<!tpu.dma_semaphore, #tpu.memory_space<semaphore_mem>>)
      %mul3A_309 = arith.constant 5 : i32
      %mul3A_310 = arith.muli %mul3A_309, %scan3A_277 : i32
      %add3A_311 = arith.constant 1 : i32
      %add3A_312 = arith.addi %mul3A_310, %add3A_311 : i32
      %dma_wait3A_313 = arith.constant 0 : i32
      %dma_wait3A_314 = tpu.memref_slice %arg4[%mul3A_2, %dma_wait3A_313] : memref<204800x128xf32, #tpu.memory_space<hbm>> -> memref<128x128xf32, #tpu.memory_space<hbm>>
      %dma_wait3A_315 = arith.constant 0 : i32
      %dma_wait3A_316 = tpu.memref_slice %arg4[%mul3A_2, %dma_wait3A_315] : memref<204800x128xf32, #tpu.memory_space<hbm>> -> memref<128x128xf32, #tpu.memory_space<hbm>>
      tpu.wait_dma2 semaphore(%arg16 : memref<!tpu.dma_semaphore, #tpu.memory_space<semaphore_mem>>) src(%arg6 : memref<128x128xf32, #tpu.memory_space<vmem>>) dst(%dma_wait3A_316 : memref<128x128xf32, #tpu.memory_space<hbm>>)
      %add3A_317 = arith.constant 4 : i32
      %add3A_318 = arith.addi %add3A_312, %add3A_317 : i32
      %add3A_319 = arith.addi %sub3A_23, %add3A_318 : i32
      %dma_start3A_320 = arith.constant 0 : i32
      %dma_start3A_321 = tpu.memref_slice %arg5[%add3A_319, %dma_start3A_320] : memref<56x128xi32, #tpu.memory_space<vmem>> -> memref<1x128xi32, #tpu.memory_space<vmem>>
      %dma_start3A_322 = tpu.memref_squeeze %dma_start3A_321 : memref<1x128xi32, #tpu.memory_space<vmem>> -> memref<128xi32, #tpu.memory_space<vmem>>
      %dma_start3A_323 = arith.constant 0 : i32
      %dma_start3A_324 = arith.constant 0 : i32
      %dma_start3A_325 = tpu.memref_slice %arg2[%dma_start3A_323, %dma_start3A_324] : memref<100000x128xf32, #tpu.memory_space<hbm>> -> memref<100000x128xf32, #tpu.memory_space<hbm>>
      tpu.enqueue_indirect_dma source(%dma_start3A_325 : memref<100000x128xf32, #tpu.memory_space<hbm>>) target(%arg6 : memref<128x128xf32, #tpu.memory_space<vmem>>) offsets(%dma_start3A_322 : memref<128xi32, #tpu.memory_space<vmem>>) semaphore(%arg11 : memref<!tpu.dma_semaphore, #tpu.memory_space<semaphore_mem>>)
      %dma_wait3A_326 = arith.constant 0 : i32
      %dma_wait3A_327 = arith.constant 0 : i32
      %dma_wait3A_328 = tpu.memref_slice %arg5[%dma_wait3A_326, %dma_wait3A_327] : memref<56x128xi32, #tpu.memory_space<vmem>> -> memref<1x128xi32, #tpu.memory_space<vmem>>
      %dma_wait3A_329 = tpu.memref_squeeze %dma_wait3A_328 : memref<1x128xi32, #tpu.memory_space<vmem>> -> memref<128xi32, #tpu.memory_space<vmem>>
      %dma_wait3A_330 = arith.constant 0 : i32
      %dma_wait3A_331 = arith.constant 0 : i32
      %dma_wait3A_332 = tpu.memref_slice %arg2[%dma_wait3A_330, %dma_wait3A_331] : memref<100000x128xf32, #tpu.memory_space<hbm>> -> memref<100000x128xf32, #tpu.memory_space<hbm>>
      tpu.wait_indirect_dma semaphore(%arg12 : memref<!tpu.dma_semaphore, #tpu.memory_space<semaphore_mem>>) src(%dma_wait3A_332 : memref<100000x128xf32, #tpu.memory_space<hbm>>) dst(%arg7 : memref<128x128xf32, #tpu.memory_space<vmem>>)
      %mul3A_333 = arith.constant 128 : i32
      %mul3A_334 = arith.muli %add3A_312, %mul3A_333 : i32
      %add3A_335 = arith.addi %mul3A_2, %mul3A_334 : i32
      %dma_start3A_336 = arith.constant 0 : i32
      %dma_start3A_337 = tpu.memref_slice %arg4[%add3A_335, %dma_start3A_336] : memref<204800x128xf32, #tpu.memory_space<hbm>> -> memref<128x128xf32, #tpu.memory_space<hbm>>
      %dma_start3A_338 = arith.constant 0 : i32
      %dma_start3A_339 = tpu.memref_slice %arg4[%add3A_335, %dma_start3A_338] : memref<204800x128xf32, #tpu.memory_space<hbm>> -> memref<128x128xf32, #tpu.memory_space<hbm>>
      tpu.enqueue_dma source(%arg7 : memref<128x128xf32, #tpu.memory_space<vmem>>) target(%dma_start3A_339 : memref<128x128xf32, #tpu.memory_space<hbm>>) target_semaphore(%arg17 : memref<!tpu.dma_semaphore, #tpu.memory_space<semaphore_mem>>)
      %mul3A_340 = arith.constant 5 : i32
      %mul3A_341 = arith.muli %mul3A_340, %scan3A_277 : i32
      %add3A_342 = arith.constant 2 : i32
      %add3A_343 = arith.addi %mul3A_341, %add3A_342 : i32
      %dma_wait3A_344 = arith.constant 0 : i32
      %dma_wait3A_345 = tpu.memref_slice %arg4[%mul3A_2, %dma_wait3A_344] : memref<204800x128xf32, #tpu.memory_space<hbm>> -> memref<128x128xf32, #tpu.memory_space<hbm>>
      %dma_wait3A_346 = arith.constant 0 : i32
      %dma_wait3A_347 = tpu.memref_slice %arg4[%mul3A_2, %dma_wait3A_346] : memref<204800x128xf32, #tpu.memory_space<hbm>> -> memref<128x128xf32, #tpu.memory_space<hbm>>
      tpu.wait_dma2 semaphore(%arg17 : memref<!tpu.dma_semaphore, #tpu.memory_space<semaphore_mem>>) src(%arg7 : memref<128x128xf32, #tpu.memory_space<vmem>>) dst(%dma_wait3A_347 : memref<128x128xf32, #tpu.memory_space<hbm>>)
      %add3A_348 = arith.constant 4 : i32
      %add3A_349 = arith.addi %add3A_343, %add3A_348 : i32
      %add3A_350 = arith.addi %sub3A_23, %add3A_349 : i32
      %dma_start3A_351 = arith.constant 0 : i32
      %dma_start3A_352 = tpu.memref_slice %arg5[%add3A_350, %dma_start3A_351] : memref<56x128xi32, #tpu.memory_space<vmem>> -> memref<1x128xi32, #tpu.memory_space<vmem>>
      %dma_start3A_353 = tpu.memref_squeeze %dma_start3A_352 : memref<1x128xi32, #tpu.memory_space<vmem>> -> memref<128xi32, #tpu.memory_space<vmem>>
      %dma_start3A_354 = arith.constant 0 : i32
      %dma_start3A_355 = arith.constant 0 : i32
      %dma_start3A_356 = tpu.memref_slice %arg2[%dma_start3A_354, %dma_start3A_355] : memref<100000x128xf32, #tpu.memory_space<hbm>> -> memref<100000x128xf32, #tpu.memory_space<hbm>>
      tpu.enqueue_indirect_dma source(%dma_start3A_356 : memref<100000x128xf32, #tpu.memory_space<hbm>>) target(%arg7 : memref<128x128xf32, #tpu.memory_space<vmem>>) offsets(%dma_start3A_353 : memref<128xi32, #tpu.memory_space<vmem>>) semaphore(%arg12 : memref<!tpu.dma_semaphore, #tpu.memory_space<semaphore_mem>>)
      %dma_wait3A_357 = arith.constant 0 : i32
      %dma_wait3A_358 = arith.constant 0 : i32
      %dma_wait3A_359 = tpu.memref_slice %arg5[%dma_wait3A_357, %dma_wait3A_358] : memref<56x128xi32, #tpu.memory_space<vmem>> -> memref<1x128xi32, #tpu.memory_space<vmem>>
      %dma_wait3A_360 = tpu.memref_squeeze %dma_wait3A_359 : memref<1x128xi32, #tpu.memory_space<vmem>> -> memref<128xi32, #tpu.memory_space<vmem>>
      %dma_wait3A_361 = arith.constant 0 : i32
      %dma_wait3A_362 = arith.constant 0 : i32
      %dma_wait3A_363 = tpu.memref_slice %arg2[%dma_wait3A_361, %dma_wait3A_362] : memref<100000x128xf32, #tpu.memory_space<hbm>> -> memref<100000x128xf32, #tpu.memory_space<hbm>>
      tpu.wait_indirect_dma semaphore(%arg13 : memref<!tpu.dma_semaphore, #tpu.memory_space<semaphore_mem>>) src(%dma_wait3A_363 : memref<100000x128xf32, #tpu.memory_space<hbm>>) dst(%arg8 : memref<128x128xf32, #tpu.memory_space<vmem>>)
      %mul3A_364 = arith.constant 128 : i32
      %mul3A_365 = arith.muli %add3A_343, %mul3A_364 : i32
      %add3A_366 = arith.addi %mul3A_2, %mul3A_365 : i32
      %dma_start3A_367 = arith.constant 0 : i32
      %dma_start3A_368 = tpu.memref_slice %arg4[%add3A_366, %dma_start3A_367] : memref<204800x128xf32, #tpu.memory_space<hbm>> -> memref<128x128xf32, #tpu.memory_space<hbm>>
      %dma_start3A_369 = arith.constant 0 : i32
      %dma_start3A_370 = tpu.memref_slice %arg4[%add3A_366, %dma_start3A_369] : memref<204800x128xf32, #tpu.memory_space<hbm>> -> memref<128x128xf32, #tpu.memory_space<hbm>>
      tpu.enqueue_dma source(%arg8 : memref<128x128xf32, #tpu.memory_space<vmem>>) target(%dma_start3A_370 : memref<128x128xf32, #tpu.memory_space<hbm>>) target_semaphore(%arg18 : memref<!tpu.dma_semaphore, #tpu.memory_space<semaphore_mem>>)
      %mul3A_371 = arith.constant 5 : i32
      %mul3A_372 = arith.muli %mul3A_371, %scan3A_277 : i32
      %add3A_373 = arith.constant 3 : i32
      %add3A_374 = arith.addi %mul3A_372, %add3A_373 : i32
      %dma_wait3A_375 = arith.constant 0 : i32
      %dma_wait3A_376 = tpu.memref_slice %arg4[%mul3A_2, %dma_wait3A_375] : memref<204800x128xf32, #tpu.memory_space<hbm>> -> memref<128x128xf32, #tpu.memory_space<hbm>>
      %dma_wait3A_377 = arith.constant 0 : i32
      %dma_wait3A_378 = tpu.memref_slice %arg4[%mul3A_2, %dma_wait3A_377] : memref<204800x128xf32, #tpu.memory_space<hbm>> -> memref<128x128xf32, #tpu.memory_space<hbm>>
      tpu.wait_dma2 semaphore(%arg18 : memref<!tpu.dma_semaphore, #tpu.memory_space<semaphore_mem>>) src(%arg8 : memref<128x128xf32, #tpu.memory_space<vmem>>) dst(%dma_wait3A_378 : memref<128x128xf32, #tpu.memory_space<hbm>>)
      %add3A_379 = arith.constant 4 : i32
      %add3A_380 = arith.addi %add3A_374, %add3A_379 : i32
      %add3A_381 = arith.addi %sub3A_23, %add3A_380 : i32
      %dma_start3A_382 = arith.constant 0 : i32
      %dma_start3A_383 = tpu.memref_slice %arg5[%add3A_381, %dma_start3A_382] : memref<56x128xi32, #tpu.memory_space<vmem>> -> memref<1x128xi32, #tpu.memory_space<vmem>>
      %dma_start3A_384 = tpu.memref_squeeze %dma_start3A_383 : memref<1x128xi32, #tpu.memory_space<vmem>> -> memref<128xi32, #tpu.memory_space<vmem>>
      %dma_start3A_385 = arith.constant 0 : i32
      %dma_start3A_386 = arith.constant 0 : i32
      %dma_start3A_387 = tpu.memref_slice %arg2[%dma_start3A_385, %dma_start3A_386] : memref<100000x128xf32, #tpu.memory_space<hbm>> -> memref<100000x128xf32, #tpu.memory_space<hbm>>
      tpu.enqueue_indirect_dma source(%dma_start3A_387 : memref<100000x128xf32, #tpu.memory_space<hbm>>) target(%arg8 : memref<128x128xf32, #tpu.memory_space<vmem>>) offsets(%dma_start3A_384 : memref<128xi32, #tpu.memory_space<vmem>>) semaphore(%arg13 : memref<!tpu.dma_semaphore, #tpu.memory_space<semaphore_mem>>)
      %dma_wait3A_388 = arith.constant 0 : i32
      %dma_wait3A_389 = arith.constant 0 : i32
      %dma_wait3A_390 = tpu.memref_slice %arg5[%dma_wait3A_388, %dma_wait3A_389] : memref<56x128xi32, #tpu.memory_space<vmem>> -> memref<1x128xi32, #tpu.memory_space<vmem>>
      %dma_wait3A_391 = tpu.memref_squeeze %dma_wait3A_390 : memref<1x128xi32, #tpu.memory_space<vmem>> -> memref<128xi32, #tpu.memory_space<vmem>>
      %dma_wait3A_392 = arith.constant 0 : i32
      %dma_wait3A_393 = arith.constant 0 : i32
      %dma_wait3A_394 = tpu.memref_slice %arg2[%dma_wait3A_392, %dma_wait3A_393] : memref<100000x128xf32, #tpu.memory_space<hbm>> -> memref<100000x128xf32, #tpu.memory_space<hbm>>
      tpu.wait_indirect_dma semaphore(%arg14 : memref<!tpu.dma_semaphore, #tpu.memory_space<semaphore_mem>>) src(%dma_wait3A_394 : memref<100000x128xf32, #tpu.memory_space<hbm>>) dst(%arg9 : memref<128x128xf32, #tpu.memory_space<vmem>>)
      %mul3A_395 = arith.constant 128 : i32
      %mul3A_396 = arith.muli %add3A_374, %mul3A_395 : i32
      %add3A_397 = arith.addi %mul3A_2, %mul3A_396 : i32
      %dma_start3A_398 = arith.constant 0 : i32
      %dma_start3A_399 = tpu.memref_slice %arg4[%add3A_397, %dma_start3A_398] : memref<204800x128xf32, #tpu.memory_space<hbm>> -> memref<128x128xf32, #tpu.memory_space<hbm>>
      %dma_start3A_400 = arith.constant 0 : i32
      %dma_start3A_401 = tpu.memref_slice %arg4[%add3A_397, %dma_start3A_400] : memref<204800x128xf32, #tpu.memory_space<hbm>> -> memref<128x128xf32, #tpu.memory_space<hbm>>
      tpu.enqueue_dma source(%arg9 : memref<128x128xf32, #tpu.memory_space<vmem>>) target(%dma_start3A_401 : memref<128x128xf32, #tpu.memory_space<hbm>>) target_semaphore(%arg19 : memref<!tpu.dma_semaphore, #tpu.memory_space<semaphore_mem>>)
      %mul3A_402 = arith.constant 5 : i32
      %mul3A_403 = arith.muli %mul3A_402, %scan3A_277 : i32
      %add3A_404 = arith.constant 4 : i32
      %add3A_405 = arith.addi %mul3A_403, %add3A_404 : i32
      %dma_wait3A_406 = arith.constant 0 : i32
      %dma_wait3A_407 = tpu.memref_slice %arg4[%mul3A_2, %dma_wait3A_406] : memref<204800x128xf32, #tpu.memory_space<hbm>> -> memref<128x128xf32, #tpu.memory_space<hbm>>
      %dma_wait3A_408 = arith.constant 0 : i32
      %dma_wait3A_409 = tpu.memref_slice %arg4[%mul3A_2, %dma_wait3A_408] : memref<204800x128xf32, #tpu.memory_space<hbm>> -> memref<128x128xf32, #tpu.memory_space<hbm>>
      tpu.wait_dma2 semaphore(%arg19 : memref<!tpu.dma_semaphore, #tpu.memory_space<semaphore_mem>>) src(%arg9 : memref<128x128xf32, #tpu.memory_space<vmem>>) dst(%dma_wait3A_409 : memref<128x128xf32, #tpu.memory_space<hbm>>)
      %add3A_410 = arith.constant 4 : i32
      %add3A_411 = arith.addi %add3A_405, %add3A_410 : i32
      %add3A_412 = arith.addi %sub3A_23, %add3A_411 : i32
      %dma_start3A_413 = arith.constant 0 : i32
      %dma_start3A_414 = tpu.memref_slice %arg5[%add3A_412, %dma_start3A_413] : memref<56x128xi32, #tpu.memory_space<vmem>> -> memref<1x128xi32, #tpu.memory_space<vmem>>
      %dma_start3A_415 = tpu.memref_squeeze %dma_start3A_414 : memref<1x128xi32, #tpu.memory_space<vmem>> -> memref<128xi32, #tpu.memory_space<vmem>>
      %dma_start3A_416 = arith.constant 0 : i32
      %dma_start3A_417 = arith.constant 0 : i32
      %dma_start3A_418 = tpu.memref_slice %arg2[%dma_start3A_416, %dma_start3A_417] : memref<100000x128xf32, #tpu.memory_space<hbm>> -> memref<100000x128xf32, #tpu.memory_space<hbm>>
      tpu.enqueue_indirect_dma source(%dma_start3A_418 : memref<100000x128xf32, #tpu.memory_space<hbm>>) target(%arg9 : memref<128x128xf32, #tpu.memory_space<vmem>>) offsets(%dma_start3A_415 : memref<128xi32, #tpu.memory_space<vmem>>) semaphore(%arg14 : memref<!tpu.dma_semaphore, #tpu.memory_space<semaphore_mem>>)
      %dma_wait3A_419 = arith.constant 0 : i32
      %dma_wait3A_420 = arith.constant 0 : i32
      %dma_wait3A_421 = tpu.memref_slice %arg5[%dma_wait3A_419, %dma_wait3A_420] : memref<56x128xi32, #tpu.memory_space<vmem>> -> memref<1x128xi32, #tpu.memory_space<vmem>>
      %dma_wait3A_422 = tpu.memref_squeeze %dma_wait3A_421 : memref<1x128xi32, #tpu.memory_space<vmem>> -> memref<128xi32, #tpu.memory_space<vmem>>
      %dma_wait3A_423 = arith.constant 0 : i32
      %dma_wait3A_424 = arith.constant 0 : i32
      %dma_wait3A_425 = tpu.memref_slice %arg2[%dma_wait3A_423, %dma_wait3A_424] : memref<100000x128xf32, #tpu.memory_space<hbm>> -> memref<100000x128xf32, #tpu.memory_space<hbm>>
      tpu.wait_indirect_dma semaphore(%arg15 : memref<!tpu.dma_semaphore, #tpu.memory_space<semaphore_mem>>) src(%dma_wait3A_425 : memref<100000x128xf32, #tpu.memory_space<hbm>>) dst(%arg10 : memref<128x128xf32, #tpu.memory_space<vmem>>)
      %mul3A_426 = arith.constant 128 : i32
      %mul3A_427 = arith.muli %add3A_405, %mul3A_426 : i32
      %add3A_428 = arith.addi %mul3A_2, %mul3A_427 : i32
      %dma_start3A_429 = arith.constant 0 : i32
      %dma_start3A_430 = tpu.memref_slice %arg4[%add3A_428, %dma_start3A_429] : memref<204800x128xf32, #tpu.memory_space<hbm>> -> memref<128x128xf32, #tpu.memory_space<hbm>>
      %dma_start3A_431 = arith.constant 0 : i32
      %dma_start3A_432 = tpu.memref_slice %arg4[%add3A_428, %dma_start3A_431] : memref<204800x128xf32, #tpu.memory_space<hbm>> -> memref<128x128xf32, #tpu.memory_space<hbm>>
      tpu.enqueue_dma source(%arg10 : memref<128x128xf32, #tpu.memory_space<vmem>>) target(%dma_start3A_432 : memref<128x128xf32, #tpu.memory_space<hbm>>) target_semaphore(%arg20 : memref<!tpu.dma_semaphore, #tpu.memory_space<semaphore_mem>>)
    }
    %scan3A_179 = arith.constant 8 : i32
    %dma_wait3A_180 = arith.constant 0 : i32
    %dma_wait3A_181 = tpu.memref_slice %arg4[%mul3A_2, %dma_wait3A_180] : memref<204800x128xf32, #tpu.memory_space<hbm>> -> memref<128x128xf32, #tpu.memory_space<hbm>>
    %dma_wait3A_182 = arith.constant 0 : i32
    %dma_wait3A_183 = tpu.memref_slice %arg4[%mul3A_2, %dma_wait3A_182] : memref<204800x128xf32, #tpu.memory_space<hbm>> -> memref<128x128xf32, #tpu.memory_space<hbm>>
    tpu.wait_dma2 semaphore(%arg20 : memref<!tpu.dma_semaphore, #tpu.memory_space<semaphore_mem>>) src(%arg10 : memref<128x128xf32, #tpu.memory_space<vmem>>) dst(%dma_wait3A_183 : memref<128x128xf32, #tpu.memory_space<hbm>>)
    %add3A_184 = arith.constant 49 : i32
    %add3A_185 = arith.addi %sub3A_23, %add3A_184 : i32
    %dma_start3A_186 = arith.constant 0 : i32
    %dma_start3A_187 = tpu.memref_slice %arg5[%add3A_185, %dma_start3A_186] : memref<56x128xi32, #tpu.memory_space<vmem>> -> memref<1x128xi32, #tpu.memory_space<vmem>>
    %dma_start3A_188 = tpu.memref_squeeze %dma_start3A_187 : memref<1x128xi32, #tpu.memory_space<vmem>> -> memref<128xi32, #tpu.memory_space<vmem>>
    %dma_start3A_189 = arith.constant 0 : i32
    %dma_start3A_190 = arith.constant 0 : i32
    %dma_start3A_191 = tpu.memref_slice %arg2[%dma_start3A_189, %dma_start3A_190] : memref<100000x128xf32, #tpu.memory_space<hbm>> -> memref<100000x128xf32, #tpu.memory_space<hbm>>
    tpu.enqueue_indirect_dma source(%dma_start3A_191 : memref<100000x128xf32, #tpu.memory_space<hbm>>) target(%arg10 : memref<128x128xf32, #tpu.memory_space<vmem>>) offsets(%dma_start3A_188 : memref<128xi32, #tpu.memory_space<vmem>>) semaphore(%arg15 : memref<!tpu.dma_semaphore, #tpu.memory_space<semaphore_mem>>)
    %dma_wait3A_192 = arith.constant 0 : i32
    %dma_wait3A_193 = arith.constant 0 : i32
    %dma_wait3A_194 = tpu.memref_slice %arg5[%dma_wait3A_192, %dma_wait3A_193] : memref<56x128xi32, #tpu.memory_space<vmem>> -> memref<1x128xi32, #tpu.memory_space<vmem>>
    %dma_wait3A_195 = tpu.memref_squeeze %dma_wait3A_194 : memref<1x128xi32, #tpu.memory_space<vmem>> -> memref<128xi32, #tpu.memory_space<vmem>>
    %dma_wait3A_196 = arith.constant 0 : i32
    %dma_wait3A_197 = arith.constant 0 : i32
    %dma_wait3A_198 = tpu.memref_slice %arg2[%dma_wait3A_196, %dma_wait3A_197] : memref<100000x128xf32, #tpu.memory_space<hbm>> -> memref<100000x128xf32, #tpu.memory_space<hbm>>
    tpu.wait_indirect_dma semaphore(%arg11 : memref<!tpu.dma_semaphore, #tpu.memory_space<semaphore_mem>>) src(%dma_wait3A_198 : memref<100000x128xf32, #tpu.memory_space<hbm>>) dst(%arg6 : memref<128x128xf32, #tpu.memory_space<vmem>>)
    %add3A_199 = arith.constant 5760 : i32
    %add3A_200 = arith.addi %mul3A_2, %add3A_199 : i32
    %dma_start3A_201 = arith.constant 0 : i32
    %dma_start3A_202 = tpu.memref_slice %arg4[%add3A_200, %dma_start3A_201] : memref<204800x128xf32, #tpu.memory_space<hbm>> -> memref<128x128xf32, #tpu.memory_space<hbm>>
    %dma_start3A_203 = arith.constant 0 : i32
    %dma_start3A_204 = tpu.memref_slice %arg4[%add3A_200, %dma_start3A_203] : memref<204800x128xf32, #tpu.memory_space<hbm>> -> memref<128x128xf32, #tpu.memory_space<hbm>>
    tpu.enqueue_dma source(%arg6 : memref<128x128xf32, #tpu.memory_space<vmem>>) target(%dma_start3A_204 : memref<128x128xf32, #tpu.memory_space<hbm>>) target_semaphore(%arg16 : memref<!tpu.dma_semaphore, #tpu.memory_space<semaphore_mem>>)
    %dma_wait3A_205 = arith.constant 0 : i32
    %dma_wait3A_206 = arith.constant 0 : i32
    %dma_wait3A_207 = tpu.memref_slice %arg5[%dma_wait3A_205, %dma_wait3A_206] : memref<56x128xi32, #tpu.memory_space<vmem>> -> memref<1x128xi32, #tpu.memory_space<vmem>>
    %dma_wait3A_208 = tpu.memref_squeeze %dma_wait3A_207 : memref<1x128xi32, #tpu.memory_space<vmem>> -> memref<128xi32, #tpu.memory_space<vmem>>
    %dma_wait3A_209 = arith.constant 0 : i32
    %dma_wait3A_210 = arith.constant 0 : i32
    %dma_wait3A_211 = tpu.memref_slice %arg2[%dma_wait3A_209, %dma_wait3A_210] : memref<100000x128xf32, #tpu.memory_space<hbm>> -> memref<100000x128xf32, #tpu.memory_space<hbm>>
    tpu.wait_indirect_dma semaphore(%arg12 : memref<!tpu.dma_semaphore, #tpu.memory_space<semaphore_mem>>) src(%dma_wait3A_211 : memref<100000x128xf32, #tpu.memory_space<hbm>>) dst(%arg7 : memref<128x128xf32, #tpu.memory_space<vmem>>)
    %add3A_212 = arith.constant 5888 : i32
    %add3A_213 = arith.addi %mul3A_2, %add3A_212 : i32
    %dma_start3A_214 = arith.constant 0 : i32
    %dma_start3A_215 = tpu.memref_slice %arg4[%add3A_213, %dma_start3A_214] : memref<204800x128xf32, #tpu.memory_space<hbm>> -> memref<128x128xf32, #tpu.memory_space<hbm>>
    %dma_start3A_216 = arith.constant 0 : i32
    %dma_start3A_217 = tpu.memref_slice %arg4[%add3A_213, %dma_start3A_216] : memref<204800x128xf32, #tpu.memory_space<hbm>> -> memref<128x128xf32, #tpu.memory_space<hbm>>
    tpu.enqueue_dma source(%arg7 : memref<128x128xf32, #tpu.memory_space<vmem>>) target(%dma_start3A_217 : memref<128x128xf32, #tpu.memory_space<hbm>>) target_semaphore(%arg17 : memref<!tpu.dma_semaphore, #tpu.memory_space<semaphore_mem>>)
    %dma_wait3A_218 = arith.constant 0 : i32
    %dma_wait3A_219 = arith.constant 0 : i32
    %dma_wait3A_220 = tpu.memref_slice %arg5[%dma_wait3A_218, %dma_wait3A_219] : memref<56x128xi32, #tpu.memory_space<vmem>> -> memref<1x128xi32, #tpu.memory_space<vmem>>
    %dma_wait3A_221 = tpu.memref_squeeze %dma_wait3A_220 : memref<1x128xi32, #tpu.memory_space<vmem>> -> memref<128xi32, #tpu.memory_space<vmem>>
    %dma_wait3A_222 = arith.constant 0 : i32
    %dma_wait3A_223 = arith.constant 0 : i32
    %dma_wait3A_224 = tpu.memref_slice %arg2[%dma_wait3A_222, %dma_wait3A_223] : memref<100000x128xf32, #tpu.memory_space<hbm>> -> memref<100000x128xf32, #tpu.memory_space<hbm>>
    tpu.wait_indirect_dma semaphore(%arg13 : memref<!tpu.dma_semaphore, #tpu.memory_space<semaphore_mem>>) src(%dma_wait3A_224 : memref<100000x128xf32, #tpu.memory_space<hbm>>) dst(%arg8 : memref<128x128xf32, #tpu.memory_space<vmem>>)
    %add3A_225 = arith.constant 6016 : i32
    %add3A_226 = arith.addi %mul3A_2, %add3A_225 : i32
    %dma_start3A_227 = arith.constant 0 : i32
    %dma_start3A_228 = tpu.memref_slice %arg4[%add3A_226, %dma_start3A_227] : memref<204800x128xf32, #tpu.memory_space<hbm>> -> memref<128x128xf32, #tpu.memory_space<hbm>>
    %dma_start3A_229 = arith.constant 0 : i32
    %dma_start3A_230 = tpu.memref_slice %arg4[%add3A_226, %dma_start3A_229] : memref<204800x128xf32, #tpu.memory_space<hbm>> -> memref<128x128xf32, #tpu.memory_space<hbm>>
    tpu.enqueue_dma source(%arg8 : memref<128x128xf32, #tpu.memory_space<vmem>>) target(%dma_start3A_230 : memref<128x128xf32, #tpu.memory_space<hbm>>) target_semaphore(%arg18 : memref<!tpu.dma_semaphore, #tpu.memory_space<semaphore_mem>>)
    %dma_wait3A_231 = arith.constant 0 : i32
    %dma_wait3A_232 = arith.constant 0 : i32
    %dma_wait3A_233 = tpu.memref_slice %arg5[%dma_wait3A_231, %dma_wait3A_232] : memref<56x128xi32, #tpu.memory_space<vmem>> -> memref<1x128xi32, #tpu.memory_space<vmem>>
    %dma_wait3A_234 = tpu.memref_squeeze %dma_wait3A_233 : memref<1x128xi32, #tpu.memory_space<vmem>> -> memref<128xi32, #tpu.memory_space<vmem>>
    %dma_wait3A_235 = arith.constant 0 : i32
    %dma_wait3A_236 = arith.constant 0 : i32
    %dma_wait3A_237 = tpu.memref_slice %arg2[%dma_wait3A_235, %dma_wait3A_236] : memref<100000x128xf32, #tpu.memory_space<hbm>> -> memref<100000x128xf32, #tpu.memory_space<hbm>>
    tpu.wait_indirect_dma semaphore(%arg14 : memref<!tpu.dma_semaphore, #tpu.memory_space<semaphore_mem>>) src(%dma_wait3A_237 : memref<100000x128xf32, #tpu.memory_space<hbm>>) dst(%arg9 : memref<128x128xf32, #tpu.memory_space<vmem>>)
    %add3A_238 = arith.constant 6144 : i32
    %add3A_239 = arith.addi %mul3A_2, %add3A_238 : i32
    %dma_start3A_240 = arith.constant 0 : i32
    %dma_start3A_241 = tpu.memref_slice %arg4[%add3A_239, %dma_start3A_240] : memref<204800x128xf32, #tpu.memory_space<hbm>> -> memref<128x128xf32, #tpu.memory_space<hbm>>
    %dma_start3A_242 = arith.constant 0 : i32
    %dma_start3A_243 = tpu.memref_slice %arg4[%add3A_239, %dma_start3A_242] : memref<204800x128xf32, #tpu.memory_space<hbm>> -> memref<128x128xf32, #tpu.memory_space<hbm>>
    tpu.enqueue_dma source(%arg9 : memref<128x128xf32, #tpu.memory_space<vmem>>) target(%dma_start3A_243 : memref<128x128xf32, #tpu.memory_space<hbm>>) target_semaphore(%arg19 : memref<!tpu.dma_semaphore, #tpu.memory_space<semaphore_mem>>)
    %dma_wait3A_244 = arith.constant 0 : i32
    %dma_wait3A_245 = arith.constant 0 : i32
    %dma_wait3A_246 = tpu.memref_slice %arg5[%dma_wait3A_244, %dma_wait3A_245] : memref<56x128xi32, #tpu.memory_space<vmem>> -> memref<1x128xi32, #tpu.memory_space<vmem>>
    %dma_wait3A_247 = tpu.memref_squeeze %dma_wait3A_246 : memref<1x128xi32, #tpu.memory_space<vmem>> -> memref<128xi32, #tpu.memory_space<vmem>>
    %dma_wait3A_248 = arith.constant 0 : i32
    %dma_wait3A_249 = arith.constant 0 : i32
    %dma_wait3A_250 = tpu.memref_slice %arg2[%dma_wait3A_248, %dma_wait3A_249] : memref<100000x128xf32, #tpu.memory_space<hbm>> -> memref<100000x128xf32, #tpu.memory_space<hbm>>
    tpu.wait_indirect_dma semaphore(%arg15 : memref<!tpu.dma_semaphore, #tpu.memory_space<semaphore_mem>>) src(%dma_wait3A_250 : memref<100000x128xf32, #tpu.memory_space<hbm>>) dst(%arg10 : memref<128x128xf32, #tpu.memory_space<vmem>>)
    %add3A_251 = arith.constant 6272 : i32
    %add3A_252 = arith.addi %mul3A_2, %add3A_251 : i32
    %dma_start3A_253 = arith.constant 0 : i32
    %dma_start3A_254 = tpu.memref_slice %arg4[%add3A_252, %dma_start3A_253] : memref<204800x128xf32, #tpu.memory_space<hbm>> -> memref<128x128xf32, #tpu.memory_space<hbm>>
    %dma_start3A_255 = arith.constant 0 : i32
    %dma_start3A_256 = tpu.memref_slice %arg4[%add3A_252, %dma_start3A_255] : memref<204800x128xf32, #tpu.memory_space<hbm>> -> memref<128x128xf32, #tpu.memory_space<hbm>>
    tpu.enqueue_dma source(%arg10 : memref<128x128xf32, #tpu.memory_space<vmem>>) target(%dma_start3A_256 : memref<128x128xf32, #tpu.memory_space<hbm>>) target_semaphore(%arg20 : memref<!tpu.dma_semaphore, #tpu.memory_space<semaphore_mem>>)
    %dma_wait3A_257 = arith.constant 0 : i32
    %dma_wait3A_258 = tpu.memref_slice %arg4[%mul3A_2, %dma_wait3A_257] : memref<204800x128xf32, #tpu.memory_space<hbm>> -> memref<128x128xf32, #tpu.memory_space<hbm>>
    %dma_wait3A_259 = arith.constant 0 : i32
    %dma_wait3A_260 = tpu.memref_slice %arg4[%mul3A_2, %dma_wait3A_259] : memref<204800x128xf32, #tpu.memory_space<hbm>> -> memref<128x128xf32, #tpu.memory_space<hbm>>
    tpu.wait_dma2 semaphore(%arg16 : memref<!tpu.dma_semaphore, #tpu.memory_space<semaphore_mem>>) src(%arg6 : memref<128x128xf32, #tpu.memory_space<vmem>>) dst(%dma_wait3A_260 : memref<128x128xf32, #tpu.memory_space<hbm>>)
    %dma_wait3A_261 = arith.constant 0 : i32
    %dma_wait3A_262 = tpu.memref_slice %arg4[%mul3A_2, %dma_wait3A_261] : memref<204800x128xf32, #tpu.memory_space<hbm>> -> memref<128x128xf32, #tpu.memory_space<hbm>>
    %dma_wait3A_263 = arith.constant 0 : i32
    %dma_wait3A_264 = tpu.memref_slice %arg4[%mul3A_2, %dma_wait3A_263] : memref<204800x128xf32, #tpu.memory_space<hbm>> -> memref<128x128xf32, #tpu.memory_space<hbm>>
    tpu.wait_dma2 semaphore(%arg17 : memref<!tpu.dma_semaphore, #tpu.memory_space<semaphore_mem>>) src(%arg7 : memref<128x128xf32, #tpu.memory_space<vmem>>) dst(%dma_wait3A_264 : memref<128x128xf32, #tpu.memory_space<hbm>>)
    %dma_wait3A_265 = arith.constant 0 : i32
    %dma_wait3A_266 = tpu.memref_slice %arg4[%mul3A_2, %dma_wait3A_265] : memref<204800x128xf32, #tpu.memory_space<hbm>> -> memref<128x128xf32, #tpu.memory_space<hbm>>
    %dma_wait3A_267 = arith.constant 0 : i32
    %dma_wait3A_268 = tpu.memref_slice %arg4[%mul3A_2, %dma_wait3A_267] : memref<204800x128xf32, #tpu.memory_space<hbm>> -> memref<128x128xf32, #tpu.memory_space<hbm>>
    tpu.wait_dma2 semaphore(%arg18 : memref<!tpu.dma_semaphore, #tpu.memory_space<semaphore_mem>>) src(%arg8 : memref<128x128xf32, #tpu.memory_space<vmem>>) dst(%dma_wait3A_268 : memref<128x128xf32, #tpu.memory_space<hbm>>)
    %dma_wait3A_269 = arith.constant 0 : i32
    %dma_wait3A_270 = tpu.memref_slice %arg4[%mul3A_2, %dma_wait3A_269] : memref<204800x128xf32, #tpu.memory_space<hbm>> -> memref<128x128xf32, #tpu.memory_space<hbm>>
    %dma_wait3A_271 = arith.constant 0 : i32
    %dma_wait3A_272 = tpu.memref_slice %arg4[%mul3A_2, %dma_wait3A_271] : memref<204800x128xf32, #tpu.memory_space<hbm>> -> memref<128x128xf32, #tpu.memory_space<hbm>>
    tpu.wait_dma2 semaphore(%arg19 : memref<!tpu.dma_semaphore, #tpu.memory_space<semaphore_mem>>) src(%arg9 : memref<128x128xf32, #tpu.memory_space<vmem>>) dst(%dma_wait3A_272 : memref<128x128xf32, #tpu.memory_space<hbm>>)
    %dma_wait3A_273 = arith.constant 0 : i32
    %dma_wait3A_274 = tpu.memref_slice %arg4[%mul3A_2, %dma_wait3A_273] : memref<204800x128xf32, #tpu.memory_space<hbm>> -> memref<128x128xf32, #tpu.memory_space<hbm>>
    %dma_wait3A_275 = arith.constant 0 : i32
    %dma_wait3A_276 = tpu.memref_slice %arg4[%mul3A_2, %dma_wait3A_275] : memref<204800x128xf32, #tpu.memory_space<hbm>> -> memref<128x128xf32, #tpu.memory_space<hbm>>
    tpu.wait_dma2 semaphore(%arg20 : memref<!tpu.dma_semaphore, #tpu.memory_space<semaphore_mem>>) src(%arg10 : memref<128x128xf32, #tpu.memory_space<vmem>>) dst(%dma_wait3A_276 : memref<128x128xf32, #tpu.memory_space<hbm>>)
    return
  }
}

module attributes {stable_mosaic.version = 14 : i64} {
  func.func @_mask_eos_kernel(%arg0: memref<50x4096xi32, #tpu.memory_space<vmem>>, %arg1: memref<50x4096xi32, #tpu.memory_space<vmem>>, %arg2: memref<50x4096xf32, #tpu.memory_space<vmem>>) attributes {dimension_semantics = [], scalar_prefetch = 0 : i64, scratch_operands = 0 : i64, tpu.core_type = #tpu.core_type<tc>} {
    %get3A = arith.constant 0 : index
    %get3A_0 = arith.constant 0 : index
    %get3A_1 = vector.load %arg0[%get3A, %get3A_0] : memref<50x4096xi32, #tpu.memory_space<vmem>>, vector<50x4096xi32>
    %eq3A = arith.constant 0 : i32
    %eq3A_2 = vector.broadcast %eq3A : i32 to vector<50x4096xi32>
    %eq3A_3 = arith.cmpi eq, %get3A_1, %eq3A_2 : vector<50x4096xi32>
    %swap3A = arith.constant 0 : index
    %swap3A_4 = arith.constant 0 : index
    %swap3A_5 = vector.load %arg1[%swap3A, %swap3A_4] : memref<50x4096xi32, #tpu.memory_space<vmem>>, vector<50x4096xi32>
    %swap3A_6 = arith.extui %eq3A_3 : vector<50x4096xi1> to vector<50x4096xi32>
    %swap3A_7 = arith.constant dense<0> : vector<50x4096xi32>
    %swap3A_8 = arith.cmpi ne, %swap3A_5, %swap3A_7 : vector<50x4096xi32>
    tpu.vector_store %arg1[%swap3A, %swap3A_4], %swap3A_6 {strides = array<i32>} : memref<50x4096xi32, #tpu.memory_space<vmem>>, vector<50x4096xi32>,
    %eq3A_9 = arith.constant 1 : i32
    %eq3A_10 = vector.broadcast %eq3A_9 : i32 to vector<50x4096xi32>
    %eq3A_11 = arith.cmpi eq, %get3A_1, %eq3A_10 : vector<50x4096xi32>
    %convert_element_type3A = arith.extui %eq3A_11 : vector<50x4096xi1> to vector<50x4096xi32>
    %convert_element_type3A_12 = arith.sitofp %convert_element_type3A : vector<50x4096xi32> to vector<50x4096xf32>
    %swap3A_13 = arith.constant 0 : index
    %swap3A_14 = arith.constant 0 : index
    %swap3A_15 = vector.load %arg2[%swap3A_13, %swap3A_14] : memref<50x4096xf32, #tpu.memory_space<vmem>>, vector<50x4096xf32>
    tpu.vector_store %arg2[%swap3A_13, %swap3A_14], %convert_element_type3A_12 {strides = array<i32>} : memref<50x4096xf32, #tpu.memory_space<vmem>>, vector<50x4096xf32>,
    return
  }
}

</mosaic_0001>

<sc_bundles>
// kernel: kernel.4.cloned.1.call-start
scs
__scs_entry_jumppad:
0x0: {  	(pc) =	sbr.rel $0x88, $3  }
0x1: {  	(tag) =	ssettag $0x0;
	lr =	simm.s32 $0x1  }
0x2: {  	[smem:$0x3F9F] =	sst lr;
	_ =	strace $0xD0000000  }
0x3: {  	_ = 	snop  }
0x4: {  	_ = 	snop  }
0x5: {  	_ = 	snop  }
0x6: {  	_ = 	snop  }
0x7: {  	_ = 	snop  }
__scs_overlays_trampoline_lowered:
0x8: {  	[smem:$0x3FAE] =	sst s0  }
0x9: {  	[smem:$0x3FAF] =	sst s1  }
0xa: {  	[smem:$0x3FB0] =	sst s2  }
0xb: {  	[smem:$0x3FB1] =	sst s3  }
0xc: {  	[smem:$0x3FB2] =	sst s4  }
0xd: {  	[smem:$0x3FB3] =	sst s5  }
0xe: {  	[smem:$0x3FB4] =	sst s6  }
0xf: {  	[smem:$0x3FB5] =	sst s7  }
0x10: {  	[smem:$0x3FB6] =	sst s8  }
0x11: {  	[smem:$0x3FB7] =	sst s9;
	s0 =	simm.s32 @!p0 $0x0  }
0x12: {  	s1 =	sld [smem:$0x3F9D];
	s0 =	simm.s32 @p0 $0x1  }
0x13: {  	[smem:$0x3FB8] =	sst s0;
	s0 =	simm.s32 @!p1 $0x0  }
0x14: {  	s2 =	sld [smem:$0x3F9C];
	s0 =	simm.s32 @p1 $0x1  }
0x15: {  	[smem:$0x3FB9] =	sst s0;
	s0 =	simm.s32 @!p2 $0x0  }
0x16: {  	s3 =	sld [smem:$0x3FDB];
	s0 =	simm.s32 @p2 $0x1  }
0x17: {  	s4 =	simm.s32 $0x1BF5;
	[smem:$0x3FBB] =	sst s0  }
0x18: {  	s0 =	sld [smem:$0x3F9E];
	_ =	swait.ge [sflag:s4], $0x0  }
0x19: {  	s7 =	sld [smem:$0x3F9F]  }
0x1a: {  	s8 =	sadd.s32 $0xFFFFE003, lr  }
0x1b: {  	s9 =	sadd.s32 $0xFFFFFEF7, lr;
	s5 =	simm.s32 $0xFFFFFFFF;
	p2 =	slt.u32 s8, $0xFFFFF086  }
0x1c: {  	p1 =	slt.u32 s9, $0xF7A;
	s5 =	simm.s32 @!p2 $0x0  }
0x1d: {  	s5 =	simm.s32 @p1 $0x1;
	p0 =	seq.s32 s7, s2  }
0x1e: {  	s7 =	smul.u32 @!p0 $0xF7A, s2;
	p2 =	seq.s32 @!p0 s5, $0x0  }
0x1f: {  	s9 =	smul.u32 $0xF7A, s1;
	s8 =	simm.s32 @!p0 $0x1BF5;
	p2 =	por !p2, p0  }
0x20: {  	[sflag:s8] =	ssyncset.s32 @!p0 $0xFFFFF086;
	s6 =	sadd.s32 @!p0 s3, s7;
	s7 =	simm.s32 @!p0 $0x108  }
0x21: {  	s3 =	sadd.s32 s3, s9;
	s6 =	sadd.s32 @!p0 $0x88, s6;
	s7 =	simm.s32 @p2 $0x1082  }
0x22: {  	[simem:s7], [sflag:s8] =	dma.local @!p0 [hbm:s6], $0xF7A  }
0x23: {  	s9 =	sor.u32 $0xD0000000, s2;
	s6 =	simm.s32 $0x108;
	_ =	swait.ge @!p0 [sflag:s8], $0x0  }
0x24: {  	s3 =	sadd.s32 $0x88, s3;
	s6 =	simm.s32 @!p1 $0x1082;
	[sflag:s4] =	ssyncset.s32 $0xFFFFF086  }
0x25: {  	[simem:s6], [sflag:s4] =	dma.local [hbm:s3], $0xF7A  }
0x26: {  	[smem:$0x3F9F] =	sst s1;
	(tag) =	ssettag s2;
	_ =	strace s9  }
0x27: {  	s1 =	sld [smem:$0x3FAF]  }
0x28: {  	s2 =	sld [smem:$0x3FB0]  }
0x29: {  	s4 =	sld [smem:$0x3FB2]  }
0x2a: {  	p0 =	seq.s32 s5, $0x0;
	s5 =	sld [smem:$0x3FB3]  }
0x2b: {  	s6 =	sld [smem:$0x3FB4]  }
0x2c: {  	s7 =	sld [smem:$0x3FB5]  }
0x2d: {  	s3 =	simm.s32 $0x108;
	s8 =	sld [smem:$0x3FB6]  }
0x2e: {  	s3 =	simm.s32 @!p0 $0x1082;
	s9 =	sld [smem:$0x3FB7]  }
0x2f: {  	lr =	sadd.s32 s0, s3;
	s0 =	sld [smem:$0x3FAE]  }
0x30: {  	s3 =	sld [smem:$0x3FB1]  }
0x31: {  	[smem:$0x3FBA] =	sst s10  }
0x32: {  	s10 =	sld [smem:$0x3FB8];
	_ =	sdelay $0x3  }
0x33: {  	p0 =	seq.s32 s10, $0x1;
	s10 =	sld [smem:$0x3FBA];
	_ =	sdelay $0x3  }
0x34: {  	[smem:$0x3FBA] =	sst s10  }
0x35: {  	s10 =	sld [smem:$0x3FB9];
	_ =	sdelay $0x3  }
0x36: {  	p1 =	seq.s32 s10, $0x1;
	s10 =	sld [smem:$0x3FBA];
	_ =	sdelay $0x3  }
0x37: {  	[smem:$0x3FBA] =	sst s10  }
0x38: {  	s10 =	sld [smem:$0x3FBB]  }
0x39: {  	_ = 	snop;
	(pc) =	sbr.ind lr, $3  }
0x3a: {  	_ = 	snop  }
0x3b: {  	_ = 	snop  }
0x3c: {  	p2 =	seq.s32 s10, $0x1;
	s10 =	sld [smem:$0x3FBA]  }
0x3d: {  	_ =	shalt  }
0x3e: {  	_ =	shalt  }
0x3f: {  	_ =	shalt  }
0x40: {  	_ =	shalt  }
0x41: {  	_ =	shalt  }
0x42: {  	_ =	shalt  }
0x43: {  	_ =	shalt  }
0x44: {  	_ =	shalt  }
0x45: {  	_ =	shalt  }
0x46: {  	_ =	shalt  }
0x47: {  	_ =	shalt  }
0x48: {  	_ =	shalt  }
0x49: {  	_ =	shalt  }
0x4a: {  	_ =	shalt  }
0x4b: {  	_ =	shalt  }
0x4c: {  	_ =	shalt  }
0x4d: {  	_ =	shalt  }
0x4e: {  	_ =	shalt  }
0x4f: {  	_ =	shalt  }
0x50: {  	_ =	shalt  }
0x51: {  	_ =	shalt  }
0x52: {  	_ =	shalt  }
0x53: {  	_ =	shalt  }
0x54: {  	_ =	shalt  }
0x55: {  	_ =	shalt  }
0x56: {  	_ =	shalt  }
0x57: {  	_ =	shalt  }
0x58: {  	_ =	shalt  }
0x59: {  	_ =	shalt  }
0x5a: {  	_ =	shalt  }
0x5b: {  	_ =	shalt  }
0x5c: {  	_ =	shalt  }
0x5d: {  	_ =	shalt  }
0x5e: {  	_ =	shalt  }
0x5f: {  	_ =	shalt  }
0x60: {  	_ =	shalt  }
0x61: {  	_ =	shalt  }
0x62: {  	_ =	shalt  }
0x63: {  	_ =	shalt  }
0x64: {  	_ =	shalt  }
0x65: {  	_ =	shalt  }
0x66: {  	_ =	shalt  }
0x67: {  	_ =	shalt  }
0x68: {  	_ =	shalt  }
0x69: {  	_ =	shalt  }
0x6a: {  	_ =	shalt  }
0x6b: {  	_ =	shalt  }
0x6c: {  	_ =	shalt  }
0x6d: {  	_ =	shalt  }
0x6e: {  	_ =	shalt  }
0x6f: {  	_ =	shalt  }
0x70: {  	_ =	shalt  }
0x71: {  	_ =	shalt  }
0x72: {  	_ =	shalt  }
0x73: {  	_ =	shalt  }
0x74: {  	_ =	shalt  }
0x75: {  	_ =	shalt  }
0x76: {  	_ =	shalt  }
0x77: {  	_ =	shalt  }
0x78: {  	_ =	shalt  }
0x79: {  	_ =	shalt  }
0x7a: {  	_ =	shalt  }
0x7b: {  	_ =	shalt  }
0x7c: {  	_ =	shalt  }
0x7d: {  	_ =	shalt  }
0x7e: {  	_ =	shalt  }
0x7f: {  	_ =	shalt  }
0x80: {  	_ =	shalt  }
0x81: {  	_ =	shalt  }
0x82: {  	_ =	shalt  }
0x83: {  	_ =	shalt  }
0x84: {  	_ =	shalt  }
0x85: {  	_ =	shalt  }
0x86: {  	_ =	shalt  }
0x87: {  	_ =	shalt  }
.Lfunc_end0:
.L_simem_size_0:
called_computation_lowered:
.L_overlay_start_0:
0x88: {  	s2 =	sld [smem:$0x3FD9]  }
0x89: {  	s3 =	sld [smem:$0x3FFE];
	_ =	sdelay $0x1  }
0x8a: {  	s1 =	srdreg.scid  }
0x8b: {  	s0 =	sand.u32 $0x1, s1  }
0x8c: {  	s15 =	sshll.u32 s0, $0xA;
	s2 =	sadd.s32 s3, s2  }
0x8d: {  	s2 =	sadd.s32 s2, s15  }
0x8e: {  	[smem:$0x3FC6] =	sst s2  }
0x8f: {  	_ = 	snop  }
0x90: {  	s2 =	sld [smem:$0x3FD0];
	_ =	sdelay $0x2  }
0x91: {  	s4 =	simm.s32 $0xA;
	s5 =	simm.s32 $0x10;
	s16 =	sld [smem:$0x3FC8]  }
0x92: {  	[smem:s5], [sflag:s4] =	dma.local [hbm:s2], $0x1  }
0x93: {  	_ =	swait.eq [sflag:s4], $0x1  }
0x94: {  	[sflag:s4] =	ssyncset.done $0x0  }
0x95: {  	s17 =	sld [smem:$0x10];
	[sflag:s4] =	ssyncadd.s32 $0xFFFFFFFF  }
0x96: {  	s18 =	sld [smem:$0x13];
	(tm) =	ssettm $0x1  }
0x97: {  	s19 =	sld [smem:$0x3FFB];
	_ =	sdelay $0x3  }
0x98: {  	_ =	strace s19  }
0x99: {  	s5 =	sld [smem:$0x3FFC];
	_ =	sdelay $0x3  }
0x9a: {  	_ =	strace s5  }
0x9b: {  	s5 =	sld [smem:$0x3FFD];
	_ =	sdelay $0x3  }
0x9c: {  	_ =	strace s5  }
0x9d: {  	_ =	strace $0x8FFFFFFF  }
0x9e: {  	s20 =	sld [smem:$0x3FDB];
	_ =	sdelay $0x1  }
0x9f: {  	s6 =	simm.s32 $_scs_section_size  }
0xa0: {  	s7 =	simm.s32 $_size__tile_overlayer_lowered;
	s8 =	simm.s32 $_tile_overlayer_lowered  }
0xa1: {  	s23 =	simm.s32 $0x1BFF;
	s22 =	sshll.u32 s8, $0x1;
	s5 =	sadd.s32 s6, s20  }
0xa2: {  	s9 =	simm.s32 $0x0;
	s21 =	sshll.u32 s7, $0x1;
	s7 =	sadd.s32 s22, s5  }
0xa3: {  	[timem:s9], [sflag:s23] =	dma.local [hbm:s7], s21  }
0xa4: {  	_ =	swait.ge [sflag:s23], s21  }
0xa5: {  	s6 =	ssub.s32 $0x0, s21;
	[sflag:s23] =	ssyncset.done $0x0  }
0xa6: {  	[sflag:s23] =	ssyncadd.s32 s6;
	_ =	sdelay $0x1  }
0xa7: {  	s24 =	simm.s32 $0x1B8B  }
0xa8: {  	_ =	swait.ge [sflag:s24], $0x1  }
0xa9: {  	[sflag:s24] =	ssyncset.done $0x0  }
0xaa: {  	s25 =	simm.s32 $0x1B8E;
	[sflag:s24] =	ssyncadd.s32 $0xFFFFFFFF  }
0xab: {  	s26 =	simm.s32 $execute0_lowered;
	[smem:$0x3FD2] =	sst s25  }
0xac: {  	s6 =	sshll.u32 s26, $0x1;
	_ =	strace $0x80000046;
	[dreg:$0x1] =	wrdreg $0xFFFFFFFF  }
0xad: {  	s28 =	simm.s32 $_size_execute0_lowered;
	s5 =	sadd.s32 s5, s6;
	[dreg:$0x0] =	wrdreg $0x0  }
0xae: {  	s6 =	sshll.u32 s28, $0x1;
	[dreg:$0x2] =	wrdreg s5  }
0xaf: {  	[dreg:$0x3] =	wrdreg s6  }
0xb0: {  	[dreg:$0x4] =	wrdreg $0xC0  }
0xb1: {  	_ =	task [dreg:s9], $0x5FFFF  }
0xb2: {  	[dreg:$0x1] =	wrdreg $0xFFFFFFFF  }
0xb3: {  	[dreg:$0x0] =	wrdreg $0x60  }
0xb4: {  	[dreg:$0x2] =	wrdreg s16  }
0xb5: {  	[dreg:$0x3] =	wrdreg s18  }
0xb6: {  	[dreg:$0x4] =	wrdreg s17  }
0xb7: {  	[dreg:$0x5] =	wrdreg $0x9  }
0xb8: {  	_ =	task.clear_ibuf [dreg:s9], $0x6FFFF;
	_ =	strace $0x90000046  }
0xb9: {  	s29 =	simm.s32 $0x9;
	_ =	strace $0x80000048  }
0xba: {  	_ =	swait.ge [sflag:s29], $0x1  }
0xbb: {  	[sflag:s29] =	ssyncadd.s32 $0xFFFFFFFF  }
0xbc: {  	_ =	strace $0x90000048  }
0xbd: {  	_ =	sfence  }
0xbe: {  	s30 =	sld [smem:$0x0];
	_ =	sdelay $0x2  }
0xbf: {  	s31 =	sshll.u32 s1, $0xD;
	s1 =	sshrl.u32 s1, $0x2  }
0xc0: {  	s3 =	sand.u32 $0x4000, s31;
	s1 =	sadd.s32 s1, s30  }
0xc1: {  	s0 =	sor.u32 s3, s0;
	s1 =	sshll.u32 s1, $0x11  }
0xc2: {  	s0 =	sor.u32 s1, s0  }
0xc3: {  	s0 =	sadd.s32 $0x8F2B, s0  }
0xc4: {  	[sflag:s0] =	ssyncadd.remote.s32 $0x1  }
0xc5: {  	_ =	sfence.sel $0xFFFF  }
0xc6: {  	[dreg:$0x0] =	wrdreg $0xFFFFFFFF;
	(pc) =	sbr.abs _section_cstart, $3  }
0xc7: {  	[dreg:$0x1] =	wrdreg $0xFFFFFFFF  }
0xc8: {  	_ =	task.clear_ibuf [dreg:s9], $0x2FFFF;
	_ =	strace $0x9FFFFFFF  }
0xc9: {  	(tm) =	ssettm $0x7FFFFFFF  }
tec
execute0_lowered:
.L_overlay_start_1:
0x0: {  	(tag) =	ssettag $0x1  }
0x1: {  	s1 =	rddreg [dreg:$0x0]  }
0x2: {  	s0 =	rddreg [dreg:$0x1];
	s2 =	srdreg.scid  }
0x3: {  	s11 =	stileid.u32;
	s4 =	rddreg [dreg:$0x2]  }
0x4: {  	s3 =	simm.s32 $0x0;
	s29 =	simm.s32 $0xB;
	s14 =	smul.u32 $0x32000, s11  }
0x5: {  	s30 =	simm.s32 $0x80;
	s2 =	sand.u32 $0x1, s2;
	s17 =	smul.u32 $0x190000, s11  }
0x6: {  	s31 =	simm.s32 $0x1C00;
	s5 =	sshll.u32 s11, $0x1;
	s15 =	smul.u32 $0x19000, s2  }
0x7: {  	[smem:$0x7FF] =	sst s3;
	s6 =	sor.u32 s2, s5;
	s18 =	smul.u32 $0xC8000, s2  }
0x8: {  	s21 =	ssub.s32 $0x2, s2;
	_ =	strace $0x80000047;
	s7 =	smul.u32 $0x320, s6  }
0x9: {  	s2 =	sshll.u32 s2, $0x8;
	s23 =	sshll.u32 s6, $0x8;
	s24 =	smul.u32 $0x19000, s6  }
0xa: {  	s8 =	sshrl.u32 s21, $0x1;
	s6 =	smul.u32 $0xC8000, s6;
	s5 =	sand.u32 $0x300, s23  }
0xb: {  	s8 =	ssub.s32 s21, s8;
	s22 =	sand.u32 $0x7F80, s7;
	s7 =	sor.u32 $0x80, s5  }
0xc: {  	s21 =	sadd.s32 s18, s17;
	s25 =	sadd.s32 $0x100, s5;
	[dreg:$0x6] =	wrdreg s7  }
0xd: {  	s17 =	simm.s32 $0x0;
	s26 =	sadd.s32 $0x180, s5;
	[dreg:$0x7] =	wrdreg s25  }
0xe: {  	s9 =	sadd.s32 $0x200, s5;
	s10 =	sadd.s32 s4, s24;
	[dreg:$0x8] =	wrdreg s26  }
0xf: {  	s12 =	sadd.s32 $0x280, s5;
	s13 =	sshrl.u32 s6, $0x3;
	[dreg:$0x9] =	wrdreg s9  }
0x10: {  	s6 =	sadd.s32 s14, s4;
	s28 =	sor.u32 $0x1880, s5;
	[dreg:$0xb] =	wrdreg s12  }
0x11: {  	s14 =	simm.s32 $0x4;
	s0 =	sadd.s32 s0, s22;
	[dreg:$0xa] =	wrdreg s10  }
0x12: {  	s7 =	sadd.s32 $0x800, s10;
	s9 =	sadd.s32 $0x300, s5;
	[dreg:$0x5] =	wrdreg s0  }
0x13: {  	s10 =	sadd.s32 $0x380, s5;
	s6 =	sadd.s32 s15, s6;
	[dreg:$0xc] =	wrdreg s7  }
0x14: {  	s22 =	sshll.u32 s11, $0x9;
	s11 =	simm.s32 $0x7;
	[dreg:$0xd] =	wrdreg s9  }
0x15: {  	s15 =	simm.s32 $0x5;
	s0 =	sadd.s32 s4, s13;
	[dreg:$0xf] =	wrdreg s10  }
0x16: {  	[dreg:$0x4] =	wrdreg s6;
	s6 =	sadd.s32 $0x24000, s21;
	s16 =	sadd.s32 $0x1000, s0  }
0x17: {  	s2 =	sor.u32 s2, s22;
	s12 =	sadd.s32 $0x1800, s0;
	[dreg:$0xe] =	wrdreg s16  }
0x18: {  	s7 =	simm.s32 $0x1;
	s19 =	sadd.s32 $0x2000, s0;
	[dreg:$0x10] =	wrdreg s12  }
0x19: {  	s9 =	simm.s32 $0x2;
	s20 =	sadd.s32 $0x16800, s0;
	[dreg:$0x11] =	wrdreg s19  }
0x1a: {  	s13 =	simm.s32 $0x8;
	s23 =	sadd.s32 $0x17000, s0;
	[dreg:$0x12] =	wrdreg s20  }
0x1b: {  	s10 =	simm.s32 $0x9;
	s24 =	sadd.s32 $0x17800, s0;
	[dreg:$0x13] =	wrdreg s23  }
0x1c: {  	s6 =	sshrl.u32 s6, $0x3;
	s25 =	sadd.s32 $0x18000, s0;
	[dreg:$0x14] =	wrdreg s24  }
0x1d: {  	s0 =	sadd.s32 $0x18800, s0;
	s26 =	sand.u32 $0x300, s2;
	[dreg:$0x15] =	wrdreg s25  }
0x1e: {  	s2 =	simm.s32 $0x5C00;
	s21 =	sadd.s32 s6, s4;
	[dreg:$0x16] =	wrdreg s0  }
0x1f: {  	s24 =	smax.u32 s8, $0x1;
	s25 =	sadd.s32 $0x680, s26;
	s26 =	sor.u32 $0x400, s5  }
0x20: {  	s0 =	simm.s32 $0x9C00;
	s4 =	simm.s32 $0xDC00;
	s6 =	simm.s32 $0x11C00  }
0x21: {  	s8 =	simm.s32 $0x6;
	s12 =	simm.s32 $0x3;
	s16 =	simm.s32 $0xA  }
.LBB2_1:
0x22: {  	s18 =	rddreg [dreg:$0x5]  }
0x23: {  	[tilespmem:s3], [sflag:$0xB] =	stream.linear.gather [hbm4b:s18+s3], $0x1C00, $0x38;
	[tilespmem:$0x15C00] =	vst v63  }
0x24: {  	_ =	swait.ge [sflag:s29], $0x1C00  }
0x25: {  	[sflag:s29] =	ssyncset.done $0x0  }
0x26: {  	[sflag:s29] =	ssyncadd.s32 $0xFFFFE400  }
0x27: {  	[tilespmem:s31], [sflag:$0x1] =	stream.indirect.gather [hbm4b:s1+s30], $0x80, s5, s30, $0xb8;
	[tilespmem:$0x15C00] =	vst v63  }
0x28: {  	s19 =	rddreg [dreg:$0x6]  }
0x29: {  	[tilespmem:s2], [sflag:$0x2] =	stream.indirect.gather [hbm4b:s1+s30], $0x80, s19, s30, $0xb8;
	[tilespmem:$0x15C00] =	vst v63  }
0x2a: {  	s20 =	rddreg [dreg:$0x7]  }
0x2b: {  	[tilespmem:s0], [sflag:$0x3] =	stream.indirect.gather [hbm4b:s1+s30], $0x80, s20, s30, $0xb8;
	[tilespmem:$0x15C00] =	vst v63  }
0x2c: {  	s22 =	rddreg [dreg:$0x8]  }
0x2d: {  	[tilespmem:s4], [sflag:$0x4] =	stream.indirect.gather [hbm4b:s1+s30], $0x80, s22, s30, $0xb8;
	[tilespmem:$0x15C00] =	vst v63  }
0x2e: {  	s23 =	rddreg [dreg:$0x9]  }
0x2f: {  	[tilespmem:s6], [sflag:$0x5] =	stream.indirect.gather [hbm4b:s1+s30], $0x80, s23, s30, $0xb8;
	[tilespmem:$0x15C00] =	vst v63  }
0x30: {  	_ =	swait.ge [sflag:s7], $0x4000  }
0x31: {  	[sflag:s7] =	ssyncset.done $0x0  }
0x32: {  	s19 =	rddreg [dreg:$0xa];
	[sflag:s7] =	ssyncadd.s32 $0xFFFFC000  }
0x33: {  	[hbm4b:s19+s3] =	stream.linear.scatter [tilespmem:s31], [sflag:$0x6], $0x4000, $0x38;
	[tilespmem:$0x15C00] =	vst v63  }
0x34: {  	_ =	swait.ge [sflag:s8], $0x4000  }
0x35: {  	[sflag:s8] =	ssyncset.done $0x0  }
0x36: {  	s20 =	rddreg [dreg:$0xb];
	[sflag:s8] =	ssyncadd.s32 $0xFFFFC000  }
0x37: {  	[tilespmem:s31], [sflag:$0x1] =	stream.indirect.gather [hbm4b:s1+s30], $0x80, s20, s30, $0xb8;
	[tilespmem:$0x15C00] =	vst v63  }
0x38: {  	_ =	swait.ge [sflag:s9], $0x4000  }
0x39: {  	[sflag:s9] =	ssyncset.done $0x0  }
0x3a: {  	s22 =	rddreg [dreg:$0xc];
	[sflag:s9] =	ssyncadd.s32 $0xFFFFC000  }
0x3b: {  	[hbm4b:s22+s3] =	stream.linear.scatter [tilespmem:s2], [sflag:$0x7], $0x4000, $0x38;
	[tilespmem:$0x15C00] =	vst v63  }
0x3c: {  	_ =	swait.ge [sflag:s11], $0x4000  }
0x3d: {  	[sflag:s11] =	ssyncset.done $0x0  }
0x3e: {  	s23 =	rddreg [dreg:$0xd];
	[sflag:s11] =	ssyncadd.s32 $0xFFFFC000  }
0x3f: {  	[tilespmem:s2], [sflag:$0x2] =	stream.indirect.gather [hbm4b:s1+s30], $0x80, s23, s30, $0xb8;
	[tilespmem:$0x15C00] =	vst v63  }
0x40: {  	_ =	swait.ge [sflag:s12], $0x4000  }
0x41: {  	[sflag:s12] =	ssyncset.done $0x0  }
0x42: {  	s19 =	rddreg [dreg:$0xe];
	[sflag:s12] =	ssyncadd.s32 $0xFFFFC000  }
0x43: {  	[hbm4b:s19+s3] =	stream.linear.scatter [tilespmem:s0], [sflag:$0x8], $0x4000, $0x38;
	[tilespmem:$0x15C00] =	vst v63  }
0x44: {  	_ =	swait.ge [sflag:s13], $0x4000  }
0x45: {  	[sflag:s13] =	ssyncset.done $0x0  }
0x46: {  	s20 =	rddreg [dreg:$0xf];
	[sflag:s13] =	ssyncadd.s32 $0xFFFFC000  }
0x47: {  	[tilespmem:s0], [sflag:$0x3] =	stream.indirect.gather [hbm4b:s1+s30], $0x80, s20, s30, $0xb8;
	[tilespmem:$0x15C00] =	vst v63  }
0x48: {  	_ =	swait.ge [sflag:s14], $0x4000  }
0x49: {  	[sflag:s14] =	ssyncset.done $0x0  }
0x4a: {  	s22 =	rddreg [dreg:$0x10];
	[sflag:s14] =	ssyncadd.s32 $0xFFFFC000  }
0x4b: {  	[hbm4b:s22+s3] =	stream.linear.scatter [tilespmem:s4], [sflag:$0x9], $0x4000, $0x38;
	[tilespmem:$0x15C00] =	vst v63  }
0x4c: {  	_ =	swait.ge [sflag:s10], $0x4000  }
0x4d: {  	[sflag:s10] =	ssyncset.done $0x0  }
0x4e: {  	[sflag:s10] =	ssyncadd.s32 $0xFFFFC000  }
0x4f: {  	[tilespmem:s4], [sflag:$0x4] =	stream.indirect.gather [hbm4b:s1+s30], $0x80, s26, s30, $0xb8;
	[tilespmem:$0x15C00] =	vst v63  }
0x50: {  	_ =	swait.ge [sflag:s15], $0x4000  }
0x51: {  	[sflag:s15] =	ssyncset.done $0x0  }
0x52: {  	s23 =	rddreg [dreg:$0x11];
	[sflag:s15] =	ssyncadd.s32 $0xFFFFC000  }
0x53: {  	[hbm4b:s23+s3] =	stream.linear.scatter [tilespmem:s6], [sflag:$0xA], $0x4000, $0x38;
	[tilespmem:$0x15C00] =	vst v63  }
0x54: {  	_ =	swait.ge [sflag:s16], $0x4000  }
0x55: {  	[sflag:s16] =	ssyncset.done $0x0  }
0x56: {  	s19 =	sadd.s32 $0xFFFFFE00, s25;
	[sflag:s16] =	ssyncadd.s32 $0xFFFFC000  }
0x57: {  	[tilespmem:s6], [sflag:$0x5] =	stream.indirect.gather [hbm4b:s1+s30], $0x80, s19, s30, $0xb8;
	[tilespmem:$0x15C00] =	vst v63  }
0x58: {  	_ =	swait.ge [sflag:s7], $0x4000  }
0x59: {  	s20 =	rddreg [dreg:$0x4]  }
0x5a: {  	[sflag:s7] =	ssyncset.done $0x0;
	s18 =	sadd.s32 $0x0, s20  }
0x5b: {  	[sflag:s7] =	ssyncadd.s32 $0xFFFFC000;
	s19 =	sadd.s32 $0x2800, s18  }
0x5c: {  	[hbm4b:s19+s3] =	stream.linear.scatter [tilespmem:s31], [sflag:$0x6], $0x4000, $0x38;
	[tilespmem:$0x15C00] =	vst v63  }
0x5d: {  	_ =	swait.ge [sflag:s8], $0x4000  }
0x5e: {  	[sflag:s8] =	ssyncset.done $0x0  }
0x5f: {  	s22 =	sadd.s32 $0xFFFFFE80, s25;
	[sflag:s8] =	ssyncadd.s32 $0xFFFFC000  }
0x60: {  	[tilespmem:s31], [sflag:$0x1] =	stream.indirect.gather [hbm4b:s1+s30], $0x80, s22, s30, $0xb8;
	[tilespmem:$0x15C00] =	vst v63  }
0x61: {  	_ =	swait.ge [sflag:s9], $0x4000  }
0x62: {  	[sflag:s9] =	ssyncset.done $0x0  }
0x63: {  	s23 =	sadd.s32 $0x3000, s18;
	[sflag:s9] =	ssyncadd.s32 $0xFFFFC000  }
0x64: {  	[hbm4b:s23+s3] =	stream.linear.scatter [tilespmem:s2], [sflag:$0x7], $0x4000, $0x38;
	[tilespmem:$0x15C00] =	vst v63  }
0x65: {  	_ =	swait.ge [sflag:s11], $0x4000  }
0x66: {  	[sflag:s11] =	ssyncset.done $0x0  }
0x67: {  	s20 =	sadd.s32 $0xFFFFFF00, s25;
	[sflag:s11] =	ssyncadd.s32 $0xFFFFC000  }
0x68: {  	[tilespmem:s2], [sflag:$0x2] =	stream.indirect.gather [hbm4b:s1+s30], $0x80, s20, s30, $0xb8;
	[tilespmem:$0x15C00] =	vst v63  }
0x69: {  	_ =	swait.ge [sflag:s12], $0x4000  }
0x6a: {  	[sflag:s12] =	ssyncset.done $0x0  }
0x6b: {  	s22 =	sadd.s32 $0x3800, s18;
	[sflag:s12] =	ssyncadd.s32 $0xFFFFC000  }
0x6c: {  	[hbm4b:s22+s3] =	stream.linear.scatter [tilespmem:s0], [sflag:$0x8], $0x4000, $0x38;
	[tilespmem:$0x15C00] =	vst v63  }
0x6d: {  	_ =	swait.ge [sflag:s13], $0x4000  }
0x6e: {  	[sflag:s13] =	ssyncset.done $0x0  }
0x6f: {  	s23 =	sadd.s32 $0xFFFFFF80, s25;
	[sflag:s13] =	ssyncadd.s32 $0xFFFFC000  }
0x70: {  	[tilespmem:s0], [sflag:$0x3] =	stream.indirect.gather [hbm4b:s1+s30], $0x80, s23, s30, $0xb8;
	[tilespmem:$0x15C00] =	vst v63  }
0x71: {  	_ =	swait.ge [sflag:s14], $0x4000  }
0x72: {  	[sflag:s14] =	ssyncset.done $0x0  }
0x73: {  	s18 =	sadd.s32 $0x4000, s18;
	[sflag:s14] =	ssyncadd.s32 $0xFFFFC000  }
0x74: {  	[hbm4b:s18+s3] =	stream.linear.scatter [tilespmem:s4], [sflag:$0x9], $0x4000, $0x38;
	[tilespmem:$0x15C00] =	vst v63  }
0x75: {  	_ =	swait.ge [sflag:s10], $0x4000  }
0x76: {  	[sflag:s10] =	ssyncset.done $0x0  }
0x77: {  	[sflag:s10] =	ssyncadd.s32 $0xFFFFC000  }
0x78: {  	[tilespmem:s4], [sflag:$0x4] =	stream.indirect.gather [hbm4b:s1+s30], $0x80, s25, s30, $0xb8;
	[tilespmem:$0x15C00] =	vst v63  }
0x79: {  	_ =	swait.ge [sflag:s15], $0x4000  }
0x7a: {  	s19 =	sadd.s32 $0x280, s25;
	[sflag:s15] =	ssyncset.done $0x0  }
0x7b: {  	s20 =	sadd.s32 $0x0, s21;
	s18 =	simm.s32 $0x2800;
	[sflag:s15] =	ssyncadd.s32 $0xFFFFC000  }
.LBB2_2:
0x7c: {  	[hbm4b:s20+s3] =	stream.linear.scatter [tilespmem:s6], [sflag:$0xA], $0x4000, $0x38;
	[tilespmem:$0x15C00] =	vst v63  }
0x7d: {  	_ =	swait.ge [sflag:s16], $0x4000  }
0x7e: {  	[sflag:s16] =	ssyncset.done $0x0  }
0x7f: {  	s22 =	sadd.s32 $0xFFFFFE00, s19;
	[sflag:s16] =	ssyncadd.s32 $0xFFFFC000  }
0x80: {  	[tilespmem:s6], [sflag:$0x5] =	stream.indirect.gather [hbm4b:s1+s30], $0x80, s22, s30, $0xb8;
	[tilespmem:$0x15C00] =	vst v63  }
0x81: {  	_ =	swait.ge [sflag:s7], $0x4000  }
0x82: {  	s20 =	smov.u32 s18;
	s23 =	rddreg [dreg:$0x4]  }
0x83: {  	[sflag:s7] =	ssyncset.done $0x0;
	s22 =	sadd.s32 s20, s23  }
0x84: {  	[sflag:s7] =	ssyncadd.s32 $0xFFFFC000;
	s23 =	sadd.s32 $0x2800, s22  }
0x85: {  	[hbm4b:s23+s3] =	stream.linear.scatter [tilespmem:s31], [sflag:$0x6], $0x4000, $0x38;
	[tilespmem:$0x15C00] =	vst v63  }
0x86: {  	_ =	swait.ge [sflag:s8], $0x4000  }
0x87: {  	[sflag:s8] =	ssyncset.done $0x0  }
0x88: {  	s23 =	sadd.s32 $0xFFFFFE80, s19;
	[sflag:s8] =	ssyncadd.s32 $0xFFFFC000  }
0x89: {  	[tilespmem:s31], [sflag:$0x1] =	stream.indirect.gather [hbm4b:s1+s30], $0x80, s23, s30, $0xb8;
	[tilespmem:$0x15C00] =	vst v63  }
0x8a: {  	_ =	swait.ge [sflag:s9], $0x4000  }
0x8b: {  	[sflag:s9] =	ssyncset.done $0x0  }
0x8c: {  	s23 =	sadd.s32 $0x3000, s22;
	[sflag:s9] =	ssyncadd.s32 $0xFFFFC000  }
0x8d: {  	[hbm4b:s23+s3] =	stream.linear.scatter [tilespmem:s2], [sflag:$0x7], $0x4000, $0x38;
	[tilespmem:$0x15C00] =	vst v63  }
0x8e: {  	_ =	swait.ge [sflag:s11], $0x4000  }
0x8f: {  	[sflag:s11] =	ssyncset.done $0x0  }
0x90: {  	s23 =	sadd.s32 $0xFFFFFF00, s19;
	[sflag:s11] =	ssyncadd.s32 $0xFFFFC000  }
0x91: {  	[tilespmem:s2], [sflag:$0x2] =	stream.indirect.gather [hbm4b:s1+s30], $0x80, s23, s30, $0xb8;
	[tilespmem:$0x15C00] =	vst v63  }
0x92: {  	_ =	swait.ge [sflag:s12], $0x4000  }
0x93: {  	[sflag:s12] =	ssyncset.done $0x0  }
0x94: {  	s23 =	sadd.s32 $0x3800, s22;
	[sflag:s12] =	ssyncadd.s32 $0xFFFFC000  }
0x95: {  	[hbm4b:s23+s3] =	stream.linear.scatter [tilespmem:s0], [sflag:$0x8], $0x4000, $0x38;
	[tilespmem:$0x15C00] =	vst v63  }
0x96: {  	_ =	swait.ge [sflag:s13], $0x4000  }
0x97: {  	[sflag:s13] =	ssyncset.done $0x0  }
0x98: {  	s23 =	sadd.s32 $0xFFFFFF80, s19;
	[sflag:s13] =	ssyncadd.s32 $0xFFFFC000  }
0x99: {  	[tilespmem:s0], [sflag:$0x3] =	stream.indirect.gather [hbm4b:s1+s30], $0x80, s23, s30, $0xb8;
	[tilespmem:$0x15C00] =	vst v63  }
0x9a: {  	_ =	swait.ge [sflag:s14], $0x4000  }
0x9b: {  	[sflag:s14] =	ssyncset.done $0x0  }
0x9c: {  	s22 =	sadd.s32 $0x4000, s22;
	[sflag:s14] =	ssyncadd.s32 $0xFFFFC000  }
0x9d: {  	[hbm4b:s22+s3] =	stream.linear.scatter [tilespmem:s4], [sflag:$0x9], $0x4000, $0x38;
	[tilespmem:$0x15C00] =	vst v63  }
0x9e: {  	_ =	swait.ge [sflag:s10], $0x4000  }
0x9f: {  	p0 =	sne.s32 s18, $0x11800;
	[sflag:s10] =	ssyncset.done $0x0  }
.Ltmp0:
0xa0: {  	[sflag:s10] =	ssyncadd.s32 $0xFFFFC000;
	(pc) =	sbr.rel @p0 .LBB2_2-.Ltmp0, $4  }
0xa1: {  	[tilespmem:s4], [sflag:$0x4] =	stream.indirect.gather [hbm4b:s1+s30], $0x80, s19, s30, $0xb8;
	[tilespmem:$0x15C00] =	vst v63  }
0xa2: {  	_ =	swait.ge [sflag:s15], $0x4000  }
0xa3: {  	s18 =	sadd.s32 $0x2800, s18;
	[sflag:s15] =	ssyncset.done $0x0  }
0xa4: {  	s20 =	sadd.s32 s20, s21;
	s19 =	sadd.s32 $0x280, s19;
	[sflag:s15] =	ssyncadd.s32 $0xFFFFC000  }
0xa5: {  	[hbm4b:s20+s3] =	stream.linear.scatter [tilespmem:s6], [sflag:$0xA], $0x4000, $0x38;
	[tilespmem:$0x15C00] =	vst v63  }
0xa6: {  	_ =	swait.ge [sflag:s16], $0x4000  }
0xa7: {  	[sflag:s16] =	ssyncset.done $0x0  }
0xa8: {  	[sflag:s16] =	ssyncadd.s32 $0xFFFFC000  }
0xa9: {  	[tilespmem:s6], [sflag:$0x5] =	stream.indirect.gather [hbm4b:s1+s30], $0x80, s28, s30, $0xb8;
	[tilespmem:$0x15C00] =	vst v63  }
0xaa: {  	_ =	swait.ge [sflag:s7], $0x4000  }
0xab: {  	[sflag:s7] =	ssyncset.done $0x0  }
0xac: {  	s18 =	rddreg [dreg:$0x12];
	[sflag:s7] =	ssyncadd.s32 $0xFFFFC000  }
0xad: {  	[hbm4b:s18+s3] =	stream.linear.scatter [tilespmem:s31], [sflag:$0x6], $0x4000, $0x38;
	[tilespmem:$0x15C00] =	vst v63  }
0xae: {  	_ =	swait.ge [sflag:s9], $0x4000  }
0xaf: {  	[sflag:s9] =	ssyncset.done $0x0  }
0xb0: {  	s19 =	rddreg [dreg:$0x13];
	[sflag:s9] =	ssyncadd.s32 $0xFFFFC000  }
0xb1: {  	[hbm4b:s19+s3] =	stream.linear.scatter [tilespmem:s2], [sflag:$0x7], $0x4000, $0x38;
	[tilespmem:$0x15C00] =	vst v63  }
0xb2: {  	_ =	swait.ge [sflag:s12], $0x4000  }
0xb3: {  	[sflag:s12] =	ssyncset.done $0x0  }
0xb4: {  	s20 =	rddreg [dreg:$0x14];
	[sflag:s12] =	ssyncadd.s32 $0xFFFFC000  }
0xb5: {  	[hbm4b:s20+s3] =	stream.linear.scatter [tilespmem:s0], [sflag:$0x8], $0x4000, $0x38;
	[tilespmem:$0x15C00] =	vst v63  }
0xb6: {  	_ =	swait.ge [sflag:s14], $0x4000  }
0xb7: {  	[sflag:s14] =	ssyncset.done $0x0  }
0xb8: {  	s22 =	rddreg [dreg:$0x15];
	[sflag:s14] =	ssyncadd.s32 $0xFFFFC000  }
0xb9: {  	[hbm4b:s22+s3] =	stream.linear.scatter [tilespmem:s4], [sflag:$0x9], $0x4000, $0x38;
	[tilespmem:$0x15C00] =	vst v63  }
0xba: {  	_ =	swait.ge [sflag:s15], $0x4000  }
0xbb: {  	[sflag:s15] =	ssyncset.done $0x0  }
0xbc: {  	s23 =	rddreg [dreg:$0x16];
	[sflag:s15] =	ssyncadd.s32 $0xFFFFC000  }
0xbd: {  	[hbm4b:s23+s3] =	stream.linear.scatter [tilespmem:s6], [sflag:$0xA], $0x4000, $0x38;
	[tilespmem:$0x15C00] =	vst v63  }
0xbe: {  	_ =	swait.ge [sflag:s8], $0x4000  }
0xbf: {  	[sflag:s8] =	ssyncset.done $0x0  }
0xc0: {  	[sflag:s8] =	ssyncadd.s32 $0xFFFFC000  }
0xc1: {  	_ =	swait.ge [sflag:s11], $0x4000  }
0xc2: {  	[sflag:s11] =	ssyncset.done $0x0  }
0xc3: {  	[sflag:s11] =	ssyncadd.s32 $0xFFFFC000  }
0xc4: {  	_ =	swait.ge [sflag:s13], $0x4000  }
0xc5: {  	[sflag:s13] =	ssyncset.done $0x0  }
0xc6: {  	s17 =	sadd.s32 $0x1, s17;
	[sflag:s13] =	ssyncadd.s32 $0xFFFFC000  }
0xc7: {  	p0 =	sne.s32 s17, s24;
	_ =	swait.ge [sflag:s10], $0x4000  }
.Ltmp1:
0xc8: {  	[sflag:s10] =	ssyncset.done $0x0;
	(pc) =	sbr.rel @p0 .LBB2_1-.Ltmp1, $4  }
0xc9: {  	[sflag:s10] =	ssyncadd.s32 $0xFFFFC000  }
0xca: {  	_ =	swait.ge [sflag:s16], $0x4000  }
0xcb: {  	[sflag:s16] =	ssyncset.done $0x0  }
0xcc: {  	[sflag:s16] =	ssyncadd.s32 $0xFFFFC000  }
0xcd: {  	_ =	sfence.sel $0x180000  }
0xce: {  	[bflag:$0x0] =	sbarrier.arrive $0xFFFF  }
0xcf: {  	_ =	strace $0x90000047  }
0xd0: {  	s0 =	stileid.u32;
	[bflag:$0x2] =	sbarrier.arrive $0xFFFF  }
0xd1: {  	p0 =	sne.s32 s0, $0x0;
	s0 =	rddreg [dreg:$0x3]  }
0xd2: {  	s0 =	sadd.s32 @!p0 $0x100000, s0  }
0xd3: {  	[sflag:s0] =	ssyncadd.tile.s32 @!p0 $0x1;
	_ =	shalt  }
.Lfunc_end2:
_tile_overlayer_lowered:
.L_overlay_start_2:
0xd4: {  	(tag) =	ssettag $0x2  }
0xd5: {  	s0 =	rddreg [dreg:$0x0];
	s2 =	stileid.u32  }
0xd6: {  	s1 =	rddreg [dreg:$0x1];
	p0 =	sne.s32 s2, $0x0  }
0xd7: {  	s3 =	rddreg [dreg:$0x2];
	[bflag:$0x3] =	sbarrier.arrive $0xFFFF;
	s2 =	simm.s32 @!p0 $0x1C0B  }
0xd8: {  	[timem:s3], [sflag:s2] =	dma.local @!p0 [hbm:s0], s1  }
0xd9: {  	s0 =	simm.s32 @!p0 $0xB  }
0xda: {  	_ =	swait.ge @!p0 [sflag:s0], s1  }
0xdb: {  	s1 =	ssub.s32 @!p0 $0x0, s1;
	[sflag:s0] =	ssyncset.done @!p0 $0x0  }
0xdc: {  	[sflag:s0] =	ssyncadd.s32 @!p0 s1  }
0xdd: {  	[bflag:$0x3] =	sbarrier.arrive $0xFFFF  }
0xde: {  	_ =	shalt  }

</sc_bundles>
